<compile_context>
chip_gen: v7x
topology: tpu7x:2x2x1
jax: 0.10.2.dev20260603
libtpu: 0.0.44.dev20260713+nightly
codegen_flags: <defaults>
</compile_context>

<pallas_src>
import functools

import jax
import jax.numpy as jnp
from jax import lax
from jax.experimental import pallas as pl
from jax.experimental.pallas import tpu as pltpu
from jax.experimental.pallas import tpu_sc as plsc

STEP = 1.0

N = 10000
E = 320000
NW = 32
NCORE = 2
NTILE = 16
EPW = E // NW
CHUNK = 80
NCHUNK = EPW // CHUNK
NP = 10240
ROWS_PT = NP // NTILE
ZROWS = 128
DEGW = 128
CW = 16

def _worker_ids():
    cid = lax.axis_index("c")
    sid = lax.axis_index("s")
    return cid, sid, cid * NTILE + sid


@functools.cache
def _sc_kernels():
    mesh = plsc.VectorSubcoreMesh(core_axis_name="c", subcore_axis_name="s",
                                  num_cores=NCORE, num_subcores=NTILE)

    @functools.partial(
        pl.kernel,
        out_type=jax.ShapeDtypeStruct((NCORE, NP, DEGW), jnp.float32),
        mesh=mesh,
        scratch_types=[
            pltpu.VMEM((NCHUNK, CHUNK), jnp.int32),
            pltpu.VMEM((CHUNK, DEGW), jnp.float32),
            pltpu.VMEM_SHARED((NP, DEGW), jnp.float32),
        ],
    )
    def sc_degree(dst_hbm, ones_hbm, z_hbm, out_hbm, dst_v, ones_v, acc):
        cid, sid, wid = _worker_ids()
        pltpu.sync_copy(dst_hbm.at[wid], dst_v)
        pltpu.sync_copy(ones_hbm, ones_v)
        pltpu.sync_copy(z_hbm, acc.at[pl.ds(sid * ROWS_PT, ROWS_PT)])
        plsc.subcore_barrier()

        def body(j, _):
            pltpu.sync_copy(ones_v, acc.at[dst_v.at[j]], add=True)
            return 0

        lax.fori_loop(0, NCHUNK, body, 0)
        plsc.subcore_barrier()
        pltpu.sync_copy(acc.at[pl.ds(sid * ROWS_PT, ROWS_PT)],
                        out_hbm.at[cid, pl.ds(sid * ROWS_PT, ROWS_PT)])

    @functools.partial(
        pl.kernel,
        out_type=jax.ShapeDtypeStruct((NCORE, NP, 128), jnp.float32),
        mesh=mesh,
        scratch_types=[
            pltpu.VMEM((NCHUNK, CHUNK), jnp.int32),
            pltpu.VMEM((NCHUNK, CHUNK), jnp.int32),
            pltpu.VMEM((CHUNK, 128), jnp.float32),
            pltpu.VMEM_SHARED((NP, 128), jnp.float32),
            pltpu.SemaphoreType.DMA,
        ],
    )
    def sc_edge_agg(m_hbm, src_hbm, dst_hbm, z_hbm, out_hbm,
                    src_v, dst_v, rows_v, acc, sem):
        cid, sid, wid = _worker_ids()
        pltpu.sync_copy(src_hbm.at[wid], src_v)
        pltpu.sync_copy(dst_hbm.at[wid], dst_v)
        pltpu.sync_copy(z_hbm, acc.at[pl.ds(sid * ROWS_PT, ROWS_PT)])
        plsc.subcore_barrier()

        def body(j, _):
            pltpu.async_copy(m_hbm.at[src_v.at[j]], rows_v, sem).wait()
            pltpu.sync_copy(rows_v, acc.at[dst_v.at[j]], add=True)
            return 0

        lax.fori_loop(0, NCHUNK, body, 0)
        plsc.subcore_barrier()
        pltpu.sync_copy(acc.at[pl.ds(sid * ROWS_PT, ROWS_PT)],
                        out_hbm.at[cid, pl.ds(sid * ROWS_PT, ROWS_PT)])

    return sc_degree, sc_edge_agg



BLK = 1000


def _dot(a, b):
    return jax.lax.dot_general(
        a, b, (((1,), (1,)), ((), ())),
        precision=lax.Precision.HIGHEST, preferred_element_type=jnp.float32)


def _dinv_from_counts(c0, c1):
    deg = c0[:, 0:1] + c1[:, 0:1] + 1.0
    return lax.rsqrt(jnp.maximum(deg, 1e-12))


def _tc_encode_body(x_ref, encw_ref, pairw_ref, c0_ref, c1_ref,
                    h_ref, mp_ref):
    dinv = _dinv_from_counts(c0_ref[...], c1_ref[...])
    h = _dot(x_ref[...], encw_ref[...])
    w_s = 0.5 * (pairw_ref[...] + pairw_ref[...].T)
    h_ref[...] = h
    mp_ref[...] = dinv * _dot(h, w_s.T)


def _tc_update_core(h, h0, e0, e1, mp, dinv, extw, beta):
    agg = dinv * (e0 + e1 + mp)
    conv = agg - h * extw - beta * h0
    return h + STEP * jnp.maximum(conv, 0.0)


def _tc_update_mm_body(h_ref, h0_ref, e0_ref, e1_ref, mp_ref, c0_ref, c1_ref,
                       extw_ref, beta_ref, pairw_ref, hn_ref, mn_ref):
    dinv = _dinv_from_counts(c0_ref[...], c1_ref[...])
    hn = _tc_update_core(h_ref[...], h0_ref[...], e0_ref[...], e1_ref[...],
                         mp_ref[...], dinv, extw_ref[...], beta_ref[0, 0])
    w_s = 0.5 * (pairw_ref[...] + pairw_ref[...].T)
    hn_ref[...] = hn
    mn_ref[...] = dinv * _dot(hn, w_s.T)


def _tc_update_dec_body(h_ref, h0_ref, e0_ref, e1_ref, mp_ref, c0_ref, c1_ref,
                        extw_ref, beta_ref, decw_ref, out_ref):
    dinv = _dinv_from_counts(c0_ref[...], c1_ref[...])
    hn = _tc_update_core(h_ref[...], h0_ref[...], e0_ref[...], e1_ref[...],
                         mp_ref[...], dinv, extw_ref[...], beta_ref[0, 0])
    logits = _dot(hn, decw_ref[...])
    mx = jnp.max(logits, axis=1, keepdims=True)
    sh = logits - mx
    lse = jnp.log(jnp.sum(jnp.exp(sh), axis=1, keepdims=True))
    out_ref[...] = sh - lse


def _row_spec(width):
    return pl.BlockSpec((BLK, width), lambda i: (i, 0))


def _full_spec(shape):
    return pl.BlockSpec(shape, lambda i: tuple(0 for _ in shape))


def _tc_encode(x, enc_W, pair_W, c0, c1):
    return pl.pallas_call(
        _tc_encode_body,
        grid=(N // BLK,),
        in_specs=[_row_spec(128), _full_spec((128, 128)), _full_spec((128, 128)),
                  _row_spec(CW), _row_spec(CW)],
        out_specs=[_row_spec(128), _row_spec(128)],
        out_shape=[jax.ShapeDtypeStruct((N, 128), jnp.float32),
                   jax.ShapeDtypeStruct((N, 128), jnp.float32)],
    )(x, enc_W, pair_W, c0, c1)


def _tc_update_mm(h, h0, e0, e1, mp, c0, c1, extw, beta, pair_W):
    return pl.pallas_call(
        _tc_update_mm_body,
        grid=(N // BLK,),
        in_specs=[_row_spec(128)] * 5 + [_row_spec(CW)] * 2 +
                 [_full_spec((1, 128)), _full_spec((1, 1)),
                  _full_spec((128, 128))],
        out_specs=[_row_spec(128), _row_spec(128)],
        out_shape=[jax.ShapeDtypeStruct((N, 128), jnp.float32),
                   jax.ShapeDtypeStruct((N, 128), jnp.float32)],
    )(h, h0, e0, e1, mp, c0, c1, extw, beta, pair_W)


def _tc_update_dec(h, h0, e0, e1, mp, c0, c1, extw, beta, dec_W):
    return pl.pallas_call(
        _tc_update_dec_body,
        grid=(N // BLK,),
        in_specs=[_row_spec(128)] * 5 + [_row_spec(CW)] * 2 +
                 [_full_spec((1, 128)), _full_spec((1, 1)),
                  _full_spec((64, 128))],
        out_specs=_row_spec(64),
        out_shape=jax.ShapeDtypeStruct((N, 64), jnp.float32),
    )(h, h0, e0, e1, mp, c0, c1, extw, beta, dec_W)


def kernel(x, adj, enc_W, ext_w, pair_W, beta, dec_W):
    src = adj[0].reshape(NW, NCHUNK, CHUNK)
    dst = adj[1].reshape(NW, NCHUNK, CHUNK)
    ones128 = jnp.ones((CHUNK, DEGW), jnp.float32)
    z128 = jnp.zeros((ROWS_PT, 128), jnp.float32)
    extw2 = ext_w.reshape(1, 128)
    beta2 = beta.reshape(1, 1)

    sc_degree, sc_edge_agg = _sc_kernels()
    counts = sc_degree(dst, ones128, z128)
    c0, c1 = counts[0, :N, :CW], counts[1, :N, :CW]
    h, m1 = _tc_encode(x, enc_W, pair_W, c0, c1)
    e = sc_edge_agg(m1, src, dst, z128)
    h1, m2 = _tc_update_mm(h, h, e[0, :N], e[1, :N], m1, c0, c1, extw2, beta2, pair_W)
    e2 = sc_edge_agg(m2, src, dst, z128)
    return _tc_update_dec(h1, h, e2[0, :N], e2[1, :N], m2, c0, c1, extw2, beta2, dec_W)

# --- scband reference (transcript-rebuilt; emitter-appended) ---
"""Pipeline reference for scband-graffnet-14705968022044 (READ-ONLY COPY).

The authoritative reference and input builder live on the scoring server;
editing this copy changes nothing except your own understanding.
"""

import jax, jax.numpy as jnp
import numpy as np

N = 10000
E = 320000
NFEAT = 128
NHID = 128
NCLASS = 64
STEP = 1.0


def setup_inputs(seed: int = 0) -> dict:
    key = jax.random.key(seed)
    ks = jax.random.split(key, 7)
    x = jax.random.normal(ks[0], (N, NFEAT), dtype=jnp.float32)
    adj = jax.random.randint(ks[1], (2, E), 0, N, dtype=jnp.int32)
    enc_W = jax.random.normal(ks[2], (NHID, NFEAT), dtype=jnp.float32) / np.sqrt(NFEAT)
    ext_w = jax.random.normal(ks[3], (NHID,), dtype=jnp.float32) * 0.1
    pair_W = jax.random.normal(ks[4], (NHID, NHID), dtype=jnp.float32) / np.sqrt(NHID)
    beta = jax.random.normal(ks[5], (), dtype=jnp.float32) * 0.1
    dec_W = jax.random.normal(ks[6], (NCLASS, NHID), dtype=jnp.float32) / np.sqrt(NHID)
    return {"x": x, "adj": adj, "enc_W": enc_W, "ext_w": ext_w,
            "pair_W": pair_W, "beta": beta, "dec_W": dec_W}


def reference(x, adj, enc_W, ext_w, pair_W, beta, dec_W):
    n = x.shape[0]
    loops = jnp.arange(n, dtype=adj.dtype)
    src = jnp.concatenate([adj[0], loops])
    dst = jnp.concatenate([adj[1], loops])
    # GCN symmetric normalization with self loops
    deg = jax.ops.segment_sum(jnp.ones_like(src, dtype=x.dtype), dst, num_segments=n)
    dinv = jnp.where(deg > 0, jax.lax.rsqrt(jnp.maximum(deg, 1e-12)), 0.0)
    norm = dinv[src] * dinv[dst]
    # Pairwise: symmetric weight parametrization W_s = (W + W^T)/2
    W_s = 0.5 * (pair_W + pair_W.T)

    def conv(h, h0):
        m = h @ W_s
        agg = jax.ops.segment_sum(m[src] * norm[:, None], dst, num_segments=n)
        # GRAFF gradient-flow update: A_hat x W_s - Omega x - beta x0
        return agg - h * ext_w - beta * h0

    h = x @ enc_W.T          # encoder (Linear, no bias)
    h0 = h
    h = h + STEP * jax.nn.relu(conv(h, h0))
    h = h + STEP * jax.nn.relu(conv(h, h0))
    logits = h @ dec_W.T     # decoder (Linear, no bias)
    return jax.nn.log_softmax(logits, axis=1)

if __name__ == "__main__":
    import jax
    _d = setup_inputs()
    print(jax.jit(kernel)(*tuple(_d.values())))

</pallas_src>

<mosaic_0001>
#map = affine_map<(d0, d1) -> (0, 0, 0)>
#map1 = affine_map<(d0, d1) -> (0, 0)>
module attributes {stable_mosaic.version = 14 : i64} {
  func.func @sc_degree(%arg0: i32, %arg1: i32, %arg2: memref<32x125x80xi32, #tpu.memory_space<hbm>>, %arg3: memref<80x128xf32, #tpu.memory_space<hbm>>, %arg4: memref<640x128xf32, #tpu.memory_space<hbm>>, %arg5: memref<2x10240x128xf32, #tpu.memory_space<hbm>>, %arg6: memref<125x80xi32, #tpu.memory_space<vmem>>, %arg7: memref<80x128xf32, #tpu.memory_space<vmem>>, %arg8: memref<10240x128xf32, #tpu.memory_space<vmem_shared>>) attributes {dimension_semantics = [#tpu.dimension_semantics<core_parallel>, #tpu.dimension_semantics<subcore_parallel>], iteration_bounds = array<i64: 2, 16>, scalar_prefetch = 0 : i64, scratch_operands = 3 : i64, tpu.core_type = #tpu.core_type<sc_vector_subcore>, window_params = [{transform_indices = #map}, {transform_indices = #map1}, {transform_indices = #map1}, {transform_indices = #map}]} {
    %mul3A = arith.constant 16 : i32
    %mul3A_0 = arith.muli %arg0, %mul3A : i32
    %add3A = arith.addi %mul3A_0, %arg1 : i32
    "tpu.region"() ({
      %run_scoped3A = tpu.sem_alloc : memref<!tpu.dma_semaphore, #tpu.memory_space<semaphore_mem>>
      %dma_start3A = arith.constant 0 : i32
      %dma_start3A_14 = arith.constant 0 : i32
      %dma_start3A_15 = tpu.memref_slice %arg2[%add3A, %dma_start3A, %dma_start3A_14] : memref<32x125x80xi32, #tpu.memory_space<hbm>> -> memref<1x125x80xi32, #tpu.memory_space<hbm>>
      %dma_start3A_16 = tpu.memref_squeeze %dma_start3A_15 : memref<1x125x80xi32, #tpu.memory_space<hbm>> -> memref<125x80xi32, #tpu.memory_space<hbm>>
      %dma_start3A_17 = arith.constant 0 : i32
      %dma_start3A_18 = arith.constant 0 : i32
      %dma_start3A_19 = tpu.memref_slice %arg2[%add3A, %dma_start3A_17, %dma_start3A_18] : memref<32x125x80xi32, #tpu.memory_space<hbm>> -> memref<1x125x80xi32, #tpu.memory_space<hbm>>
      %dma_start3A_20 = tpu.memref_squeeze %dma_start3A_19 : memref<1x125x80xi32, #tpu.memory_space<hbm>> -> memref<125x80xi32, #tpu.memory_space<hbm>>
      tpu.enqueue_dma source(%dma_start3A_20 : memref<125x80xi32, #tpu.memory_space<hbm>>) target(%arg6 : memref<125x80xi32, #tpu.memory_space<vmem>>) target_semaphore(%run_scoped3A : memref<!tpu.dma_semaphore, #tpu.memory_space<semaphore_mem>>)
      %dma_wait3A = arith.constant 0 : i32
      %dma_wait3A_21 = arith.constant 0 : i32
      %dma_wait3A_22 = tpu.memref_slice %arg2[%add3A, %dma_wait3A, %dma_wait3A_21] : memref<32x125x80xi32, #tpu.memory_space<hbm>> -> memref<1x125x80xi32, #tpu.memory_space<hbm>>
      %dma_wait3A_23 = tpu.memref_squeeze %dma_wait3A_22 : memref<1x125x80xi32, #tpu.memory_space<hbm>> -> memref<125x80xi32, #tpu.memory_space<hbm>>
      %dma_wait3A_24 = arith.constant 0 : i32
      %dma_wait3A_25 = arith.constant 0 : i32
      %dma_wait3A_26 = tpu.memref_slice %arg2[%add3A, %dma_wait3A_24, %dma_wait3A_25] : memref<32x125x80xi32, #tpu.memory_space<hbm>> -> memref<1x125x80xi32, #tpu.memory_space<hbm>>
      %dma_wait3A_27 = tpu.memref_squeeze %dma_wait3A_26 : memref<1x125x80xi32, #tpu.memory_space<hbm>> -> memref<125x80xi32, #tpu.memory_space<hbm>>
      tpu.wait_dma2 semaphore(%run_scoped3A : memref<!tpu.dma_semaphore, #tpu.memory_space<semaphore_mem>>) src(%dma_wait3A_27 : memref<125x80xi32, #tpu.memory_space<hbm>>) dst(%arg6 : memref<125x80xi32, #tpu.memory_space<vmem>>)
      tpu.yield
    }) : () -> ()
    "tpu.region"() ({
      %run_scoped3A = tpu.sem_alloc : memref<!tpu.dma_semaphore, #tpu.memory_space<semaphore_mem>>
      tpu.enqueue_dma source(%arg3 : memref<80x128xf32, #tpu.memory_space<hbm>>) target(%arg7 : memref<80x128xf32, #tpu.memory_space<vmem>>) target_semaphore(%run_scoped3A : memref<!tpu.dma_semaphore, #tpu.memory_space<semaphore_mem>>)
      tpu.wait_dma2 semaphore(%run_scoped3A : memref<!tpu.dma_semaphore, #tpu.memory_space<semaphore_mem>>) src(%arg3 : memref<80x128xf32, #tpu.memory_space<hbm>>) dst(%arg7 : memref<80x128xf32, #tpu.memory_space<vmem>>)
      tpu.yield
    }) : () -> ()
    %mul3A_1 = arith.constant 640 : i32
    %mul3A_2 = arith.muli %arg1, %mul3A_1 : i32
    "tpu.region"() ({
      %run_scoped3A = tpu.sem_alloc : memref<!tpu.dma_semaphore, #tpu.memory_space<semaphore_mem>>
      %dma_start3A = arith.constant 0 : i32
      %dma_start3A_14 = tpu.memref_slice %arg8[%mul3A_2, %dma_start3A] : memref<10240x128xf32, #tpu.memory_space<vmem_shared>> -> memref<640x128xf32, #tpu.memory_space<vmem_shared>>
      tpu.enqueue_dma source(%arg4 : memref<640x128xf32, #tpu.memory_space<hbm>>) target(%dma_start3A_14 : memref<640x128xf32, #tpu.memory_space<vmem_shared>>) target_semaphore(%run_scoped3A : memref<!tpu.dma_semaphore, #tpu.memory_space<semaphore_mem>>)
      %dma_wait3A = arith.constant 0 : i32
      %dma_wait3A_15 = tpu.memref_slice %arg8[%mul3A_2, %dma_wait3A] : memref<10240x128xf32, #tpu.memory_space<vmem_shared>> -> memref<640x128xf32, #tpu.memory_space<vmem_shared>>
      tpu.wait_dma2 semaphore(%run_scoped3A : memref<!tpu.dma_semaphore, #tpu.memory_space<semaphore_mem>>) src(%arg4 : memref<640x128xf32, #tpu.memory_space<hbm>>) dst(%dma_wait3A_15 : memref<640x128xf32, #tpu.memory_space<vmem_shared>>)
      tpu.yield
    }) : () -> ()
    %barrier3A = arith.constant 0 : index
    tpu.barrier barrier_id(%barrier3A)
    %scan3A = arith.constant 0 : i32
    %scan3A_3 = arith.constant 0 : i32
    %scan3A_4 = arith.constant 125 : i32
    %scan3A_5 = arith.addi %scan3A_3, %scan3A_4 : i32
    %scan3A_6 = arith.constant 1 : i32
    %scan3A_7 = scf.for %scan3A_14 = %scan3A_3 to %scan3A_5 step %scan3A_6 iter_args(%scan3A_15 = %scan3A) -> (i32)  : i32 {
      "tpu.region"() ({
        %run_scoped3A = tpu.sem_alloc : memref<!tpu.dma_semaphore, #tpu.memory_space<semaphore_mem>>
        %dma_start3A = arith.constant 0 : i32
        %dma_start3A_17 = tpu.memref_slice %arg6[%scan3A_14, %dma_start3A] : memref<125x80xi32, #tpu.memory_space<vmem>> -> memref<1x80xi32, #tpu.memory_space<vmem>>
        %dma_start3A_18 = tpu.memref_squeeze %dma_start3A_17 : memref<1x80xi32, #tpu.memory_space<vmem>> -> memref<80xi32, #tpu.memory_space<vmem>>
        %dma_start3A_19 = arith.constant 0 : i32
        %dma_start3A_20 = arith.constant 0 : i32
        %dma_start3A_21 = tpu.memref_slice %arg8[%dma_start3A_19, %dma_start3A_20] : memref<10240x128xf32, #tpu.memory_space<vmem_shared>> -> memref<10240x128xf32, #tpu.memory_space<vmem_shared>>
        tpu.enqueue_indirect_dma source(%arg7 : memref<80x128xf32, #tpu.memory_space<vmem>>) target(%dma_start3A_21 : memref<10240x128xf32, #tpu.memory_space<vmem_shared>>) offsets(%dma_start3A_18 : memref<80xi32, #tpu.memory_space<vmem>>) semaphore(%run_scoped3A : memref<!tpu.dma_semaphore, #tpu.memory_space<semaphore_mem>>) {add = true}
        %dma_wait3A = arith.constant 0 : i32
        %dma_wait3A_22 = tpu.memref_slice %arg6[%scan3A_14, %dma_wait3A] : memref<125x80xi32, #tpu.memory_space<vmem>> -> memref<1x80xi32, #tpu.memory_space<vmem>>
        %dma_wait3A_23 = tpu.memref_squeeze %dma_wait3A_22 : memref<1x80xi32, #tpu.memory_space<vmem>> -> memref<80xi32, #tpu.memory_space<vmem>>
        %dma_wait3A_24 = arith.constant 0 : i32
        %dma_wait3A_25 = arith.constant 0 : i32
        %dma_wait3A_26 = tpu.memref_slice %arg8[%dma_wait3A_24, %dma_wait3A_25] : memref<10240x128xf32, #tpu.memory_space<vmem_shared>> -> memref<10240x128xf32, #tpu.memory_space<vmem_shared>>
        tpu.wait_indirect_dma semaphore(%run_scoped3A : memref<!tpu.dma_semaphore, #tpu.memory_space<semaphore_mem>>) src(%arg7 : memref<80x128xf32, #tpu.memory_space<vmem>>) dst(%dma_wait3A_26 : memref<10240x128xf32, #tpu.memory_space<vmem_shared>>)
        tpu.yield
      }) : () -> ()
      %scan3A_16 = arith.constant 0 : i32
      scf.yield %scan3A_16 : i32
    }
    %scan3A_8 = arith.constant 125 : i32
    %barrier3A_9 = arith.constant 0 : index
    tpu.barrier barrier_id(%barrier3A_9)
    %mul3A_10 = arith.constant 640 : i32
    %mul3A_11 = arith.muli %arg1, %mul3A_10 : i32
    %mul3A_12 = arith.constant 640 : i32
    %mul3A_13 = arith.muli %arg1, %mul3A_12 : i32
    "tpu.region"() ({
      %run_scoped3A = tpu.sem_alloc : memref<!tpu.dma_semaphore, #tpu.memory_space<semaphore_mem>>
      %dma_start3A = arith.constant 0 : i32
      %dma_start3A_14 = tpu.memref_slice %arg5[%arg0, %mul3A_13, %dma_start3A] : memref<2x10240x128xf32, #tpu.memory_space<hbm>> -> memref<1x640x128xf32, #tpu.memory_space<hbm>>
      %dma_start3A_15 = tpu.memref_squeeze %dma_start3A_14 : memref<1x640x128xf32, #tpu.memory_space<hbm>> -> memref<640x128xf32, #tpu.memory_space<hbm>>
      %dma_start3A_16 = arith.constant 0 : i32
      %dma_start3A_17 = tpu.memref_slice %arg8[%mul3A_11, %dma_start3A_16] : memref<10240x128xf32, #tpu.memory_space<vmem_shared>> -> memref<640x128xf32, #tpu.memory_space<vmem_shared>>
      tpu.enqueue_dma source(%dma_start3A_17 : memref<640x128xf32, #tpu.memory_space<vmem_shared>>) target(%dma_start3A_15 : memref<640x128xf32, #tpu.memory_space<hbm>>) target_semaphore(%run_scoped3A : memref<!tpu.dma_semaphore, #tpu.memory_space<semaphore_mem>>)
      %dma_wait3A = arith.constant 0 : i32
      %dma_wait3A_18 = tpu.memref_slice %arg5[%arg0, %mul3A_13, %dma_wait3A] : memref<2x10240x128xf32, #tpu.memory_space<hbm>> -> memref<1x640x128xf32, #tpu.memory_space<hbm>>
      %dma_wait3A_19 = tpu.memref_squeeze %dma_wait3A_18 : memref<1x640x128xf32, #tpu.memory_space<hbm>> -> memref<640x128xf32, #tpu.memory_space<hbm>>
      %dma_wait3A_20 = arith.constant 0 : i32
      %dma_wait3A_21 = tpu.memref_slice %arg8[%mul3A_11, %dma_wait3A_20] : memref<10240x128xf32, #tpu.memory_space<vmem_shared>> -> memref<640x128xf32, #tpu.memory_space<vmem_shared>>
      tpu.wait_dma2 semaphore(%run_scoped3A : memref<!tpu.dma_semaphore, #tpu.memory_space<semaphore_mem>>) src(%dma_wait3A_21 : memref<640x128xf32, #tpu.memory_space<vmem_shared>>) dst(%dma_wait3A_19 : memref<640x128xf32, #tpu.memory_space<hbm>>)
      tpu.yield
    }) : () -> ()
    return
  }
}

#map = affine_map<(d0, d1) -> (0, 0)>
#map1 = affine_map<(d0, d1) -> (0, 0, 0)>
module attributes {stable_mosaic.version = 14 : i64} {
  func.func @sc_edge_agg(%arg0: i32, %arg1: i32, %arg2: memref<10000x128xf32, #tpu.memory_space<hbm>>, %arg3: memref<32x125x80xi32, #tpu.memory_space<hbm>>, %arg4: memref<32x125x80xi32, #tpu.memory_space<hbm>>, %arg5: memref<640x128xf32, #tpu.memory_space<hbm>>, %arg6: memref<2x10240x128xf32, #tpu.memory_space<hbm>>, %arg7: memref<125x80xi32, #tpu.memory_space<vmem>>, %arg8: memref<125x80xi32, #tpu.memory_space<vmem>>, %arg9: memref<80x128xf32, #tpu.memory_space<vmem>>, %arg10: memref<10240x128xf32, #tpu.memory_space<vmem_shared>>, %arg11: memref<!tpu.dma_semaphore, #tpu.memory_space<semaphore_mem>>) attributes {dimension_semantics = [#tpu.dimension_semantics<core_parallel>, #tpu.dimension_semantics<subcore_parallel>], iteration_bounds = array<i64: 2, 16>, scalar_prefetch = 0 : i64, scratch_operands = 5 : i64, tpu.core_type = #tpu.core_type<sc_vector_subcore>, window_params = [{transform_indices = #map}, {transform_indices = #map1}, {transform_indices = #map1}, {transform_indices = #map}, {transform_indices = #map1}]} {
    %mul3A = arith.constant 16 : i32
    %mul3A_0 = arith.muli %arg0, %mul3A : i32
    %add3A = arith.addi %mul3A_0, %arg1 : i32
    "tpu.region"() ({
      %run_scoped3A = tpu.sem_alloc : memref<!tpu.dma_semaphore, #tpu.memory_space<semaphore_mem>>
      %dma_start3A = arith.constant 0 : i32
      %dma_start3A_14 = arith.constant 0 : i32
      %dma_start3A_15 = tpu.memref_slice %arg3[%add3A, %dma_start3A, %dma_start3A_14] : memref<32x125x80xi32, #tpu.memory_space<hbm>> -> memref<1x125x80xi32, #tpu.memory_space<hbm>>
      %dma_start3A_16 = tpu.memref_squeeze %dma_start3A_15 : memref<1x125x80xi32, #tpu.memory_space<hbm>> -> memref<125x80xi32, #tpu.memory_space<hbm>>
      %dma_start3A_17 = arith.constant 0 : i32
      %dma_start3A_18 = arith.constant 0 : i32
      %dma_start3A_19 = tpu.memref_slice %arg3[%add3A, %dma_start3A_17, %dma_start3A_18] : memref<32x125x80xi32, #tpu.memory_space<hbm>> -> memref<1x125x80xi32, #tpu.memory_space<hbm>>
      %dma_start3A_20 = tpu.memref_squeeze %dma_start3A_19 : memref<1x125x80xi32, #tpu.memory_space<hbm>> -> memref<125x80xi32, #tpu.memory_space<hbm>>
      tpu.enqueue_dma source(%dma_start3A_20 : memref<125x80xi32, #tpu.memory_space<hbm>>) target(%arg7 : memref<125x80xi32, #tpu.memory_space<vmem>>) target_semaphore(%run_scoped3A : memref<!tpu.dma_semaphore, #tpu.memory_space<semaphore_mem>>)
      %dma_wait3A = arith.constant 0 : i32
      %dma_wait3A_21 = arith.constant 0 : i32
      %dma_wait3A_22 = tpu.memref_slice %arg3[%add3A, %dma_wait3A, %dma_wait3A_21] : memref<32x125x80xi32, #tpu.memory_space<hbm>> -> memref<1x125x80xi32, #tpu.memory_space<hbm>>
      %dma_wait3A_23 = tpu.memref_squeeze %dma_wait3A_22 : memref<1x125x80xi32, #tpu.memory_space<hbm>> -> memref<125x80xi32, #tpu.memory_space<hbm>>
      %dma_wait3A_24 = arith.constant 0 : i32
      %dma_wait3A_25 = arith.constant 0 : i32
      %dma_wait3A_26 = tpu.memref_slice %arg3[%add3A, %dma_wait3A_24, %dma_wait3A_25] : memref<32x125x80xi32, #tpu.memory_space<hbm>> -> memref<1x125x80xi32, #tpu.memory_space<hbm>>
      %dma_wait3A_27 = tpu.memref_squeeze %dma_wait3A_26 : memref<1x125x80xi32, #tpu.memory_space<hbm>> -> memref<125x80xi32, #tpu.memory_space<hbm>>
      tpu.wait_dma2 semaphore(%run_scoped3A : memref<!tpu.dma_semaphore, #tpu.memory_space<semaphore_mem>>) src(%dma_wait3A_27 : memref<125x80xi32, #tpu.memory_space<hbm>>) dst(%arg7 : memref<125x80xi32, #tpu.memory_space<vmem>>)
      tpu.yield
    }) : () -> ()
    "tpu.region"() ({
      %run_scoped3A = tpu.sem_alloc : memref<!tpu.dma_semaphore, #tpu.memory_space<semaphore_mem>>
      %dma_start3A = arith.constant 0 : i32
      %dma_start3A_14 = arith.constant 0 : i32
      %dma_start3A_15 = tpu.memref_slice %arg4[%add3A, %dma_start3A, %dma_start3A_14] : memref<32x125x80xi32, #tpu.memory_space<hbm>> -> memref<1x125x80xi32, #tpu.memory_space<hbm>>
      %dma_start3A_16 = tpu.memref_squeeze %dma_start3A_15 : memref<1x125x80xi32, #tpu.memory_space<hbm>> -> memref<125x80xi32, #tpu.memory_space<hbm>>
      %dma_start3A_17 = arith.constant 0 : i32
      %dma_start3A_18 = arith.constant 0 : i32
      %dma_start3A_19 = tpu.memref_slice %arg4[%add3A, %dma_start3A_17, %dma_start3A_18] : memref<32x125x80xi32, #tpu.memory_space<hbm>> -> memref<1x125x80xi32, #tpu.memory_space<hbm>>
      %dma_start3A_20 = tpu.memref_squeeze %dma_start3A_19 : memref<1x125x80xi32, #tpu.memory_space<hbm>> -> memref<125x80xi32, #tpu.memory_space<hbm>>
      tpu.enqueue_dma source(%dma_start3A_20 : memref<125x80xi32, #tpu.memory_space<hbm>>) target(%arg8 : memref<125x80xi32, #tpu.memory_space<vmem>>) target_semaphore(%run_scoped3A : memref<!tpu.dma_semaphore, #tpu.memory_space<semaphore_mem>>)
      %dma_wait3A = arith.constant 0 : i32
      %dma_wait3A_21 = arith.constant 0 : i32
      %dma_wait3A_22 = tpu.memref_slice %arg4[%add3A, %dma_wait3A, %dma_wait3A_21] : memref<32x125x80xi32, #tpu.memory_space<hbm>> -> memref<1x125x80xi32, #tpu.memory_space<hbm>>
      %dma_wait3A_23 = tpu.memref_squeeze %dma_wait3A_22 : memref<1x125x80xi32, #tpu.memory_space<hbm>> -> memref<125x80xi32, #tpu.memory_space<hbm>>
      %dma_wait3A_24 = arith.constant 0 : i32
      %dma_wait3A_25 = arith.constant 0 : i32
      %dma_wait3A_26 = tpu.memref_slice %arg4[%add3A, %dma_wait3A_24, %dma_wait3A_25] : memref<32x125x80xi32, #tpu.memory_space<hbm>> -> memref<1x125x80xi32, #tpu.memory_space<hbm>>
      %dma_wait3A_27 = tpu.memref_squeeze %dma_wait3A_26 : memref<1x125x80xi32, #tpu.memory_space<hbm>> -> memref<125x80xi32, #tpu.memory_space<hbm>>
      tpu.wait_dma2 semaphore(%run_scoped3A : memref<!tpu.dma_semaphore, #tpu.memory_space<semaphore_mem>>) src(%dma_wait3A_27 : memref<125x80xi32, #tpu.memory_space<hbm>>) dst(%arg8 : memref<125x80xi32, #tpu.memory_space<vmem>>)
      tpu.yield
    }) : () -> ()
    %mul3A_1 = arith.constant 640 : i32
    %mul3A_2 = arith.muli %arg1, %mul3A_1 : i32
    "tpu.region"() ({
      %run_scoped3A = tpu.sem_alloc : memref<!tpu.dma_semaphore, #tpu.memory_space<semaphore_mem>>
      %dma_start3A = arith.constant 0 : i32
      %dma_start3A_14 = tpu.memref_slice %arg10[%mul3A_2, %dma_start3A] : memref<10240x128xf32, #tpu.memory_space<vmem_shared>> -> memref<640x128xf32, #tpu.memory_space<vmem_shared>>
      tpu.enqueue_dma source(%arg5 : memref<640x128xf32, #tpu.memory_space<hbm>>) target(%dma_start3A_14 : memref<640x128xf32, #tpu.memory_space<vmem_shared>>) target_semaphore(%run_scoped3A : memref<!tpu.dma_semaphore, #tpu.memory_space<semaphore_mem>>)
      %dma_wait3A = arith.constant 0 : i32
      %dma_wait3A_15 = tpu.memref_slice %arg10[%mul3A_2, %dma_wait3A] : memref<10240x128xf32, #tpu.memory_space<vmem_shared>> -> memref<640x128xf32, #tpu.memory_space<vmem_shared>>
      tpu.wait_dma2 semaphore(%run_scoped3A : memref<!tpu.dma_semaphore, #tpu.memory_space<semaphore_mem>>) src(%arg5 : memref<640x128xf32, #tpu.memory_space<hbm>>) dst(%dma_wait3A_15 : memref<640x128xf32, #tpu.memory_space<vmem_shared>>)
      tpu.yield
    }) : () -> ()
    %barrier3A = arith.constant 0 : index
    tpu.barrier barrier_id(%barrier3A)
    %scan3A = arith.constant 0 : i32
    %scan3A_3 = arith.constant 0 : i32
    %scan3A_4 = arith.constant 125 : i32
    %scan3A_5 = arith.addi %scan3A_3, %scan3A_4 : i32
    %scan3A_6 = arith.constant 1 : i32
    %scan3A_7 = scf.for %scan3A_14 = %scan3A_3 to %scan3A_5 step %scan3A_6 iter_args(%scan3A_15 = %scan3A) -> (i32)  : i32 {
      %dma_start3A = arith.constant 0 : i32
      %dma_start3A_16 = tpu.memref_slice %arg7[%scan3A_14, %dma_start3A] : memref<125x80xi32, #tpu.memory_space<vmem>> -> memref<1x80xi32, #tpu.memory_space<vmem>>
      %dma_start3A_17 = tpu.memref_squeeze %dma_start3A_16 : memref<1x80xi32, #tpu.memory_space<vmem>> -> memref<80xi32, #tpu.memory_space<vmem>>
      %dma_start3A_18 = arith.constant 0 : i32
      %dma_start3A_19 = arith.constant 0 : i32
      %dma_start3A_20 = tpu.memref_slice %arg2[%dma_start3A_18, %dma_start3A_19] : memref<10000x128xf32, #tpu.memory_space<hbm>> -> memref<10000x128xf32, #tpu.memory_space<hbm>>
      tpu.enqueue_indirect_dma source(%dma_start3A_20 : memref<10000x128xf32, #tpu.memory_space<hbm>>) target(%arg9 : memref<80x128xf32, #tpu.memory_space<vmem>>) offsets(%dma_start3A_17 : memref<80xi32, #tpu.memory_space<vmem>>) semaphore(%arg11 : memref<!tpu.dma_semaphore, #tpu.memory_space<semaphore_mem>>)
      %dma_wait3A = arith.constant 0 : i32
      %dma_wait3A_21 = tpu.memref_slice %arg7[%scan3A_14, %dma_wait3A] : memref<125x80xi32, #tpu.memory_space<vmem>> -> memref<1x80xi32, #tpu.memory_space<vmem>>
      %dma_wait3A_22 = tpu.memref_squeeze %dma_wait3A_21 : memref<1x80xi32, #tpu.memory_space<vmem>> -> memref<80xi32, #tpu.memory_space<vmem>>
      %dma_wait3A_23 = arith.constant 0 : i32
      %dma_wait3A_24 = arith.constant 0 : i32
      %dma_wait3A_25 = tpu.memref_slice %arg2[%dma_wait3A_23, %dma_wait3A_24] : memref<10000x128xf32, #tpu.memory_space<hbm>> -> memref<10000x128xf32, #tpu.memory_space<hbm>>
      tpu.wait_indirect_dma semaphore(%arg11 : memref<!tpu.dma_semaphore, #tpu.memory_space<semaphore_mem>>) src(%dma_wait3A_25 : memref<10000x128xf32, #tpu.memory_space<hbm>>) dst(%arg9 : memref<80x128xf32, #tpu.memory_space<vmem>>)
      "tpu.region"() ({
        %run_scoped3A = tpu.sem_alloc : memref<!tpu.dma_semaphore, #tpu.memory_space<semaphore_mem>>
        %dma_start3A_27 = arith.constant 0 : i32
        %dma_start3A_28 = tpu.memref_slice %arg8[%scan3A_14, %dma_start3A_27] : memref<125x80xi32, #tpu.memory_space<vmem>> -> memref<1x80xi32, #tpu.memory_space<vmem>>
        %dma_start3A_29 = tpu.memref_squeeze %dma_start3A_28 : memref<1x80xi32, #tpu.memory_space<vmem>> -> memref<80xi32, #tpu.memory_space<vmem>>
        %dma_start3A_30 = arith.constant 0 : i32
        %dma_start3A_31 = arith.constant 0 : i32
        %dma_start3A_32 = tpu.memref_slice %arg10[%dma_start3A_30, %dma_start3A_31] : memref<10240x128xf32, #tpu.memory_space<vmem_shared>> -> memref<10240x128xf32, #tpu.memory_space<vmem_shared>>
        tpu.enqueue_indirect_dma source(%arg9 : memref<80x128xf32, #tpu.memory_space<vmem>>) target(%dma_start3A_32 : memref<10240x128xf32, #tpu.memory_space<vmem_shared>>) offsets(%dma_start3A_29 : memref<80xi32, #tpu.memory_space<vmem>>) semaphore(%run_scoped3A : memref<!tpu.dma_semaphore, #tpu.memory_space<semaphore_mem>>) {add = true}
        %dma_wait3A_33 = arith.constant 0 : i32
        %dma_wait3A_34 = tpu.memref_slice %arg8[%scan3A_14, %dma_wait3A_33] : memref<125x80xi32, #tpu.memory_space<vmem>> -> memref<1x80xi32, #tpu.memory_space<vmem>>
        %dma_wait3A_35 = tpu.memref_squeeze %dma_wait3A_34 : memref<1x80xi32, #tpu.memory_space<vmem>> -> memref<80xi32, #tpu.memory_space<vmem>>
        %dma_wait3A_36 = arith.constant 0 : i32
        %dma_wait3A_37 = arith.constant 0 : i32
        %dma_wait3A_38 = tpu.memref_slice %arg10[%dma_wait3A_36, %dma_wait3A_37] : memref<10240x128xf32, #tpu.memory_space<vmem_shared>> -> memref<10240x128xf32, #tpu.memory_space<vmem_shared>>
        tpu.wait_indirect_dma semaphore(%run_scoped3A : memref<!tpu.dma_semaphore, #tpu.memory_space<semaphore_mem>>) src(%arg9 : memref<80x128xf32, #tpu.memory_space<vmem>>) dst(%dma_wait3A_38 : memref<10240x128xf32, #tpu.memory_space<vmem_shared>>)
        tpu.yield
      }) : () -> ()
      %scan3A_26 = arith.constant 0 : i32
      scf.yield %scan3A_26 : i32
    }
    %scan3A_8 = arith.constant 125 : i32
    %barrier3A_9 = arith.constant 0 : index
    tpu.barrier barrier_id(%barrier3A_9)
    %mul3A_10 = arith.constant 640 : i32
    %mul3A_11 = arith.muli %arg1, %mul3A_10 : i32
    %mul3A_12 = arith.constant 640 : i32
    %mul3A_13 = arith.muli %arg1, %mul3A_12 : i32
    "tpu.region"() ({
      %run_scoped3A = tpu.sem_alloc : memref<!tpu.dma_semaphore, #tpu.memory_space<semaphore_mem>>
      %dma_start3A = arith.constant 0 : i32
      %dma_start3A_14 = tpu.memref_slice %arg6[%arg0, %mul3A_13, %dma_start3A] : memref<2x10240x128xf32, #tpu.memory_space<hbm>> -> memref<1x640x128xf32, #tpu.memory_space<hbm>>
      %dma_start3A_15 = tpu.memref_squeeze %dma_start3A_14 : memref<1x640x128xf32, #tpu.memory_space<hbm>> -> memref<640x128xf32, #tpu.memory_space<hbm>>
      %dma_start3A_16 = arith.constant 0 : i32
      %dma_start3A_17 = tpu.memref_slice %arg10[%mul3A_11, %dma_start3A_16] : memref<10240x128xf32, #tpu.memory_space<vmem_shared>> -> memref<640x128xf32, #tpu.memory_space<vmem_shared>>
      tpu.enqueue_dma source(%dma_start3A_17 : memref<640x128xf32, #tpu.memory_space<vmem_shared>>) target(%dma_start3A_15 : memref<640x128xf32, #tpu.memory_space<hbm>>) target_semaphore(%run_scoped3A : memref<!tpu.dma_semaphore, #tpu.memory_space<semaphore_mem>>)
      %dma_wait3A = arith.constant 0 : i32
      %dma_wait3A_18 = tpu.memref_slice %arg6[%arg0, %mul3A_13, %dma_wait3A] : memref<2x10240x128xf32, #tpu.memory_space<hbm>> -> memref<1x640x128xf32, #tpu.memory_space<hbm>>
      %dma_wait3A_19 = tpu.memref_squeeze %dma_wait3A_18 : memref<1x640x128xf32, #tpu.memory_space<hbm>> -> memref<640x128xf32, #tpu.memory_space<hbm>>
      %dma_wait3A_20 = arith.constant 0 : i32
      %dma_wait3A_21 = tpu.memref_slice %arg10[%mul3A_11, %dma_wait3A_20] : memref<10240x128xf32, #tpu.memory_space<vmem_shared>> -> memref<640x128xf32, #tpu.memory_space<vmem_shared>>
      tpu.wait_dma2 semaphore(%run_scoped3A : memref<!tpu.dma_semaphore, #tpu.memory_space<semaphore_mem>>) src(%dma_wait3A_21 : memref<640x128xf32, #tpu.memory_space<vmem_shared>>) dst(%dma_wait3A_19 : memref<640x128xf32, #tpu.memory_space<hbm>>)
      tpu.yield
    }) : () -> ()
    return
  }
}

#map = affine_map<(d0, d1) -> (0, 0)>
#map1 = affine_map<(d0, d1) -> (0, 0, 0)>
module attributes {stable_mosaic.version = 14 : i64} {
  func.func @sc_edge_agg(%arg0: i32, %arg1: i32, %arg2: memref<10000x128xf32, #tpu.memory_space<hbm>>, %arg3: memref<32x125x80xi32, #tpu.memory_space<hbm>>, %arg4: memref<32x125x80xi32, #tpu.memory_space<hbm>>, %arg5: memref<640x128xf32, #tpu.memory_space<hbm>>, %arg6: memref<2x10240x128xf32, #tpu.memory_space<hbm>>, %arg7: memref<125x80xi32, #tpu.memory_space<vmem>>, %arg8: memref<125x80xi32, #tpu.memory_space<vmem>>, %arg9: memref<80x128xf32, #tpu.memory_space<vmem>>, %arg10: memref<10240x128xf32, #tpu.memory_space<vmem_shared>>, %arg11: memref<!tpu.dma_semaphore, #tpu.memory_space<semaphore_mem>>) attributes {dimension_semantics = [#tpu.dimension_semantics<core_parallel>, #tpu.dimension_semantics<subcore_parallel>], iteration_bounds = array<i64: 2, 16>, scalar_prefetch = 0 : i64, scratch_operands = 5 : i64, tpu.core_type = #tpu.core_type<sc_vector_subcore>, window_params = [{transform_indices = #map}, {transform_indices = #map1}, {transform_indices = #map1}, {transform_indices = #map}, {transform_indices = #map1}]} {
    %mul3A = arith.constant 16 : i32
    %mul3A_0 = arith.muli %arg0, %mul3A : i32
    %add3A = arith.addi %mul3A_0, %arg1 : i32
    "tpu.region"() ({
      %run_scoped3A = tpu.sem_alloc : memref<!tpu.dma_semaphore, #tpu.memory_space<semaphore_mem>>
      %dma_start3A = arith.constant 0 : i32
      %dma_start3A_14 = arith.constant 0 : i32
      %dma_start3A_15 = tpu.memref_slice %arg3[%add3A, %dma_start3A, %dma_start3A_14] : memref<32x125x80xi32, #tpu.memory_space<hbm>> -> memref<1x125x80xi32, #tpu.memory_space<hbm>>
      %dma_start3A_16 = tpu.memref_squeeze %dma_start3A_15 : memref<1x125x80xi32, #tpu.memory_space<hbm>> -> memref<125x80xi32, #tpu.memory_space<hbm>>
      %dma_start3A_17 = arith.constant 0 : i32
      %dma_start3A_18 = arith.constant 0 : i32
      %dma_start3A_19 = tpu.memref_slice %arg3[%add3A, %dma_start3A_17, %dma_start3A_18] : memref<32x125x80xi32, #tpu.memory_space<hbm>> -> memref<1x125x80xi32, #tpu.memory_space<hbm>>
      %dma_start3A_20 = tpu.memref_squeeze %dma_start3A_19 : memref<1x125x80xi32, #tpu.memory_space<hbm>> -> memref<125x80xi32, #tpu.memory_space<hbm>>
      tpu.enqueue_dma source(%dma_start3A_20 : memref<125x80xi32, #tpu.memory_space<hbm>>) target(%arg7 : memref<125x80xi32, #tpu.memory_space<vmem>>) target_semaphore(%run_scoped3A : memref<!tpu.dma_semaphore, #tpu.memory_space<semaphore_mem>>)
      %dma_wait3A = arith.constant 0 : i32
      %dma_wait3A_21 = arith.constant 0 : i32
      %dma_wait3A_22 = tpu.memref_slice %arg3[%add3A, %dma_wait3A, %dma_wait3A_21] : memref<32x125x80xi32, #tpu.memory_space<hbm>> -> memref<1x125x80xi32, #tpu.memory_space<hbm>>
      %dma_wait3A_23 = tpu.memref_squeeze %dma_wait3A_22 : memref<1x125x80xi32, #tpu.memory_space<hbm>> -> memref<125x80xi32, #tpu.memory_space<hbm>>
      %dma_wait3A_24 = arith.constant 0 : i32
      %dma_wait3A_25 = arith.constant 0 : i32
      %dma_wait3A_26 = tpu.memref_slice %arg3[%add3A, %dma_wait3A_24, %dma_wait3A_25] : memref<32x125x80xi32, #tpu.memory_space<hbm>> -> memref<1x125x80xi32, #tpu.memory_space<hbm>>
      %dma_wait3A_27 = tpu.memref_squeeze %dma_wait3A_26 : memref<1x125x80xi32, #tpu.memory_space<hbm>> -> memref<125x80xi32, #tpu.memory_space<hbm>>
      tpu.wait_dma2 semaphore(%run_scoped3A : memref<!tpu.dma_semaphore, #tpu.memory_space<semaphore_mem>>) src(%dma_wait3A_27 : memref<125x80xi32, #tpu.memory_space<hbm>>) dst(%arg7 : memref<125x80xi32, #tpu.memory_space<vmem>>)
      tpu.yield
    }) : () -> ()
    "tpu.region"() ({
      %run_scoped3A = tpu.sem_alloc : memref<!tpu.dma_semaphore, #tpu.memory_space<semaphore_mem>>
      %dma_start3A = arith.constant 0 : i32
      %dma_start3A_14 = arith.constant 0 : i32
      %dma_start3A_15 = tpu.memref_slice %arg4[%add3A, %dma_start3A, %dma_start3A_14] : memref<32x125x80xi32, #tpu.memory_space<hbm>> -> memref<1x125x80xi32, #tpu.memory_space<hbm>>
      %dma_start3A_16 = tpu.memref_squeeze %dma_start3A_15 : memref<1x125x80xi32, #tpu.memory_space<hbm>> -> memref<125x80xi32, #tpu.memory_space<hbm>>
      %dma_start3A_17 = arith.constant 0 : i32
      %dma_start3A_18 = arith.constant 0 : i32
      %dma_start3A_19 = tpu.memref_slice %arg4[%add3A, %dma_start3A_17, %dma_start3A_18] : memref<32x125x80xi32, #tpu.memory_space<hbm>> -> memref<1x125x80xi32, #tpu.memory_space<hbm>>
      %dma_start3A_20 = tpu.memref_squeeze %dma_start3A_19 : memref<1x125x80xi32, #tpu.memory_space<hbm>> -> memref<125x80xi32, #tpu.memory_space<hbm>>
      tpu.enqueue_dma source(%dma_start3A_20 : memref<125x80xi32, #tpu.memory_space<hbm>>) target(%arg8 : memref<125x80xi32, #tpu.memory_space<vmem>>) target_semaphore(%run_scoped3A : memref<!tpu.dma_semaphore, #tpu.memory_space<semaphore_mem>>)
      %dma_wait3A = arith.constant 0 : i32
      %dma_wait3A_21 = arith.constant 0 : i32
      %dma_wait3A_22 = tpu.memref_slice %arg4[%add3A, %dma_wait3A, %dma_wait3A_21] : memref<32x125x80xi32, #tpu.memory_space<hbm>> -> memref<1x125x80xi32, #tpu.memory_space<hbm>>
      %dma_wait3A_23 = tpu.memref_squeeze %dma_wait3A_22 : memref<1x125x80xi32, #tpu.memory_space<hbm>> -> memref<125x80xi32, #tpu.memory_space<hbm>>
      %dma_wait3A_24 = arith.constant 0 : i32
      %dma_wait3A_25 = arith.constant 0 : i32
      %dma_wait3A_26 = tpu.memref_slice %arg4[%add3A, %dma_wait3A_24, %dma_wait3A_25] : memref<32x125x80xi32, #tpu.memory_space<hbm>> -> memref<1x125x80xi32, #tpu.memory_space<hbm>>
      %dma_wait3A_27 = tpu.memref_squeeze %dma_wait3A_26 : memref<1x125x80xi32, #tpu.memory_space<hbm>> -> memref<125x80xi32, #tpu.memory_space<hbm>>
      tpu.wait_dma2 semaphore(%run_scoped3A : memref<!tpu.dma_semaphore, #tpu.memory_space<semaphore_mem>>) src(%dma_wait3A_27 : memref<125x80xi32, #tpu.memory_space<hbm>>) dst(%arg8 : memref<125x80xi32, #tpu.memory_space<vmem>>)
      tpu.yield
    }) : () -> ()
    %mul3A_1 = arith.constant 640 : i32
    %mul3A_2 = arith.muli %arg1, %mul3A_1 : i32
    "tpu.region"() ({
      %run_scoped3A = tpu.sem_alloc : memref<!tpu.dma_semaphore, #tpu.memory_space<semaphore_mem>>
      %dma_start3A = arith.constant 0 : i32
      %dma_start3A_14 = tpu.memref_slice %arg10[%mul3A_2, %dma_start3A] : memref<10240x128xf32, #tpu.memory_space<vmem_shared>> -> memref<640x128xf32, #tpu.memory_space<vmem_shared>>
      tpu.enqueue_dma source(%arg5 : memref<640x128xf32, #tpu.memory_space<hbm>>) target(%dma_start3A_14 : memref<640x128xf32, #tpu.memory_space<vmem_shared>>) target_semaphore(%run_scoped3A : memref<!tpu.dma_semaphore, #tpu.memory_space<semaphore_mem>>)
      %dma_wait3A = arith.constant 0 : i32
      %dma_wait3A_15 = tpu.memref_slice %arg10[%mul3A_2, %dma_wait3A] : memref<10240x128xf32, #tpu.memory_space<vmem_shared>> -> memref<640x128xf32, #tpu.memory_space<vmem_shared>>
      tpu.wait_dma2 semaphore(%run_scoped3A : memref<!tpu.dma_semaphore, #tpu.memory_space<semaphore_mem>>) src(%arg5 : memref<640x128xf32, #tpu.memory_space<hbm>>) dst(%dma_wait3A_15 : memref<640x128xf32, #tpu.memory_space<vmem_shared>>)
      tpu.yield
    }) : () -> ()
    %barrier3A = arith.constant 0 : index
    tpu.barrier barrier_id(%barrier3A)
    %scan3A = arith.constant 0 : i32
    %scan3A_3 = arith.constant 0 : i32
    %scan3A_4 = arith.constant 125 : i32
    %scan3A_5 = arith.addi %scan3A_3, %scan3A_4 : i32
    %scan3A_6 = arith.constant 1 : i32
    %scan3A_7 = scf.for %scan3A_14 = %scan3A_3 to %scan3A_5 step %scan3A_6 iter_args(%scan3A_15 = %scan3A) -> (i32)  : i32 {
      %dma_start3A = arith.constant 0 : i32
      %dma_start3A_16 = tpu.memref_slice %arg7[%scan3A_14, %dma_start3A] : memref<125x80xi32, #tpu.memory_space<vmem>> -> memref<1x80xi32, #tpu.memory_space<vmem>>
      %dma_start3A_17 = tpu.memref_squeeze %dma_start3A_16 : memref<1x80xi32, #tpu.memory_space<vmem>> -> memref<80xi32, #tpu.memory_space<vmem>>
      %dma_start3A_18 = arith.constant 0 : i32
      %dma_start3A_19 = arith.constant 0 : i32
      %dma_start3A_20 = tpu.memref_slice %arg2[%dma_start3A_18, %dma_start3A_19] : memref<10000x128xf32, #tpu.memory_space<hbm>> -> memref<10000x128xf32, #tpu.memory_space<hbm>>
      tpu.enqueue_indirect_dma source(%dma_start3A_20 : memref<10000x128xf32, #tpu.memory_space<hbm>>) target(%arg9 : memref<80x128xf32, #tpu.memory_space<vmem>>) offsets(%dma_start3A_17 : memref<80xi32, #tpu.memory_space<vmem>>) semaphore(%arg11 : memref<!tpu.dma_semaphore, #tpu.memory_space<semaphore_mem>>)
      %dma_wait3A = arith.constant 0 : i32
      %dma_wait3A_21 = tpu.memref_slice %arg7[%scan3A_14, %dma_wait3A] : memref<125x80xi32, #tpu.memory_space<vmem>> -> memref<1x80xi32, #tpu.memory_space<vmem>>
      %dma_wait3A_22 = tpu.memref_squeeze %dma_wait3A_21 : memref<1x80xi32, #tpu.memory_space<vmem>> -> memref<80xi32, #tpu.memory_space<vmem>>
      %dma_wait3A_23 = arith.constant 0 : i32
      %dma_wait3A_24 = arith.constant 0 : i32
      %dma_wait3A_25 = tpu.memref_slice %arg2[%dma_wait3A_23, %dma_wait3A_24] : memref<10000x128xf32, #tpu.memory_space<hbm>> -> memref<10000x128xf32, #tpu.memory_space<hbm>>
      tpu.wait_indirect_dma semaphore(%arg11 : memref<!tpu.dma_semaphore, #tpu.memory_space<semaphore_mem>>) src(%dma_wait3A_25 : memref<10000x128xf32, #tpu.memory_space<hbm>>) dst(%arg9 : memref<80x128xf32, #tpu.memory_space<vmem>>)
      "tpu.region"() ({
        %run_scoped3A = tpu.sem_alloc : memref<!tpu.dma_semaphore, #tpu.memory_space<semaphore_mem>>
        %dma_start3A_27 = arith.constant 0 : i32
        %dma_start3A_28 = tpu.memref_slice %arg8[%scan3A_14, %dma_start3A_27] : memref<125x80xi32, #tpu.memory_space<vmem>> -> memref<1x80xi32, #tpu.memory_space<vmem>>
        %dma_start3A_29 = tpu.memref_squeeze %dma_start3A_28 : memref<1x80xi32, #tpu.memory_space<vmem>> -> memref<80xi32, #tpu.memory_space<vmem>>
        %dma_start3A_30 = arith.constant 0 : i32
        %dma_start3A_31 = arith.constant 0 : i32
        %dma_start3A_32 = tpu.memref_slice %arg10[%dma_start3A_30, %dma_start3A_31] : memref<10240x128xf32, #tpu.memory_space<vmem_shared>> -> memref<10240x128xf32, #tpu.memory_space<vmem_shared>>
        tpu.enqueue_indirect_dma source(%arg9 : memref<80x128xf32, #tpu.memory_space<vmem>>) target(%dma_start3A_32 : memref<10240x128xf32, #tpu.memory_space<vmem_shared>>) offsets(%dma_start3A_29 : memref<80xi32, #tpu.memory_space<vmem>>) semaphore(%run_scoped3A : memref<!tpu.dma_semaphore, #tpu.memory_space<semaphore_mem>>) {add = true}
        %dma_wait3A_33 = arith.constant 0 : i32
        %dma_wait3A_34 = tpu.memref_slice %arg8[%scan3A_14, %dma_wait3A_33] : memref<125x80xi32, #tpu.memory_space<vmem>> -> memref<1x80xi32, #tpu.memory_space<vmem>>
        %dma_wait3A_35 = tpu.memref_squeeze %dma_wait3A_34 : memref<1x80xi32, #tpu.memory_space<vmem>> -> memref<80xi32, #tpu.memory_space<vmem>>
        %dma_wait3A_36 = arith.constant 0 : i32
        %dma_wait3A_37 = arith.constant 0 : i32
        %dma_wait3A_38 = tpu.memref_slice %arg10[%dma_wait3A_36, %dma_wait3A_37] : memref<10240x128xf32, #tpu.memory_space<vmem_shared>> -> memref<10240x128xf32, #tpu.memory_space<vmem_shared>>
        tpu.wait_indirect_dma semaphore(%run_scoped3A : memref<!tpu.dma_semaphore, #tpu.memory_space<semaphore_mem>>) src(%arg9 : memref<80x128xf32, #tpu.memory_space<vmem>>) dst(%dma_wait3A_38 : memref<10240x128xf32, #tpu.memory_space<vmem_shared>>)
        tpu.yield
      }) : () -> ()
      %scan3A_26 = arith.constant 0 : i32
      scf.yield %scan3A_26 : i32
    }
    %scan3A_8 = arith.constant 125 : i32
    %barrier3A_9 = arith.constant 0 : index
    tpu.barrier barrier_id(%barrier3A_9)
    %mul3A_10 = arith.constant 640 : i32
    %mul3A_11 = arith.muli %arg1, %mul3A_10 : i32
    %mul3A_12 = arith.constant 640 : i32
    %mul3A_13 = arith.muli %arg1, %mul3A_12 : i32
    "tpu.region"() ({
      %run_scoped3A = tpu.sem_alloc : memref<!tpu.dma_semaphore, #tpu.memory_space<semaphore_mem>>
      %dma_start3A = arith.constant 0 : i32
      %dma_start3A_14 = tpu.memref_slice %arg6[%arg0, %mul3A_13, %dma_start3A] : memref<2x10240x128xf32, #tpu.memory_space<hbm>> -> memref<1x640x128xf32, #tpu.memory_space<hbm>>
      %dma_start3A_15 = tpu.memref_squeeze %dma_start3A_14 : memref<1x640x128xf32, #tpu.memory_space<hbm>> -> memref<640x128xf32, #tpu.memory_space<hbm>>
      %dma_start3A_16 = arith.constant 0 : i32
      %dma_start3A_17 = tpu.memref_slice %arg10[%mul3A_11, %dma_start3A_16] : memref<10240x128xf32, #tpu.memory_space<vmem_shared>> -> memref<640x128xf32, #tpu.memory_space<vmem_shared>>
      tpu.enqueue_dma source(%dma_start3A_17 : memref<640x128xf32, #tpu.memory_space<vmem_shared>>) target(%dma_start3A_15 : memref<640x128xf32, #tpu.memory_space<hbm>>) target_semaphore(%run_scoped3A : memref<!tpu.dma_semaphore, #tpu.memory_space<semaphore_mem>>)
      %dma_wait3A = arith.constant 0 : i32
      %dma_wait3A_18 = tpu.memref_slice %arg6[%arg0, %mul3A_13, %dma_wait3A] : memref<2x10240x128xf32, #tpu.memory_space<hbm>> -> memref<1x640x128xf32, #tpu.memory_space<hbm>>
      %dma_wait3A_19 = tpu.memref_squeeze %dma_wait3A_18 : memref<1x640x128xf32, #tpu.memory_space<hbm>> -> memref<640x128xf32, #tpu.memory_space<hbm>>
      %dma_wait3A_20 = arith.constant 0 : i32
      %dma_wait3A_21 = tpu.memref_slice %arg10[%mul3A_11, %dma_wait3A_20] : memref<10240x128xf32, #tpu.memory_space<vmem_shared>> -> memref<640x128xf32, #tpu.memory_space<vmem_shared>>
      tpu.wait_dma2 semaphore(%run_scoped3A : memref<!tpu.dma_semaphore, #tpu.memory_space<semaphore_mem>>) src(%dma_wait3A_21 : memref<640x128xf32, #tpu.memory_space<vmem_shared>>) dst(%dma_wait3A_19 : memref<640x128xf32, #tpu.memory_space<hbm>>)
      tpu.yield
    }) : () -> ()
    return
  }
}

module attributes {stable_mosaic.version = 14 : i64} {
  func.func @_tc_encode_body(%arg0: i32, %arg1: memref<1000x128xf32, #tpu.memory_space<vmem>>, %arg2: memref<128x128xf32, #tpu.memory_space<vmem>>, %arg3: memref<128x128xf32, #tpu.memory_space<vmem>>, %arg4: memref<1000x16xf32, #tpu.memory_space<vmem>>, %arg5: memref<1000x16xf32, #tpu.memory_space<vmem>>, %arg6: memref<1000x128xf32, #tpu.memory_space<vmem>>, %arg7: memref<1000x128xf32, #tpu.memory_space<vmem>>) attributes {dimension_semantics = [#tpu.dimension_semantics<arbitrary>], iteration_bounds = array<i64: 10>, scalar_prefetch = 0 : i64, scratch_operands = 0 : i64, tpu.core_type = #tpu.core_type<tc>, window_params = [{transform_indices = @transform_0, window_bounds = array<i64: 1000, 128>}, {pipeline_mode = #tpu.pipeline_mode<synchronous>, transform_indices = @transform_1, window_bounds = array<i64: 128, 128>}, {pipeline_mode = #tpu.pipeline_mode<synchronous>, transform_indices = @transform_2, window_bounds = array<i64: 128, 128>}, {transform_indices = @transform_3, window_bounds = array<i64: 1000, 16>}, {transform_indices = @transform_4, window_bounds = array<i64: 1000, 16>}, {transform_indices = @transform_5, window_bounds = array<i64: 1000, 128>}, {transform_indices = @transform_6, window_bounds = array<i64: 1000, 128>}]} {
    %get3A = arith.constant 0 : index
    %get3A_0 = arith.constant 0 : index
    %get3A_1 = vector.load %arg4[%get3A, %get3A_0] : memref<1000x16xf32, #tpu.memory_space<vmem>>, vector<1000x16xf32>
    %get3A_2 = arith.constant 0 : index
    %get3A_3 = arith.constant 0 : index
    %get3A_4 = vector.load %arg5[%get3A_2, %get3A_3] : memref<1000x16xf32, #tpu.memory_space<vmem>>, vector<1000x16xf32>
    %slice3A = vector.extract_strided_slice %get3A_1 {offsets = [0, 0], sizes = [1000, 1], strides = [1, 1]} : vector<1000x16xf32> to vector<1000x1xf32>
    %slice3A_5 = vector.extract_strided_slice %get3A_4 {offsets = [0, 0], sizes = [1000, 1], strides = [1, 1]} : vector<1000x16xf32> to vector<1000x1xf32>
    %add3A = arith.addf %slice3A, %slice3A_5 : vector<1000x1xf32>
    %add3A_6 = arith.constant 1.000000e+00 : f32
    %add3A_7 = vector.broadcast %add3A_6 : f32 to vector<1000x1xf32>
    %add3A_8 = arith.addf %add3A, %add3A_7 : vector<1000x1xf32>
    %max3A = arith.constant 9.99999996E-13 : f32
    %max3A_9 = vector.broadcast %max3A : f32 to vector<1000x1xf32>
    %max3A_10 = arith.maximumf %add3A_8, %max3A_9 : vector<1000x1xf32>
    %rsqrt3A = math.rsqrt %max3A_10 : vector<1000x1xf32>
    %get3A_11 = arith.constant 0 : index
    %get3A_12 = arith.constant 0 : index
    %get3A_13 = vector.load %arg1[%get3A_11, %get3A_12] : memref<1000x128xf32, #tpu.memory_space<vmem>>, vector<1000x128xf32>
    %get3A_14 = arith.constant 0 : index
    %get3A_15 = arith.constant 0 : index
    %get3A_16 = vector.load %arg2[%get3A_14, %get3A_15] : memref<128x128xf32, #tpu.memory_space<vmem>>, vector<128x128xf32>
    %dot_general3A = arith.constant dense<0.000000e+00> : vector<1000x128xf32>
    %dot_general3A_17 = tpu.matmul %get3A_13, %get3A_16, %dot_general3A {dimension_numbers = #tpu.dot_dimension_numbers<[1], [1], [0], [0], [0, 0, 1, 0], [], []>, precision = #tpu.contract_precision<fp32>, transpose_lhs_hint = false} : vector<1000x128xf32>, vector<128x128xf32>, vector<1000x128xf32> -> vector<1000x128xf32>
    %get3A_18 = arith.constant 0 : index
    %get3A_19 = arith.constant 0 : index
    %get3A_20 = vector.load %arg3[%get3A_18, %get3A_19] : memref<128x128xf32, #tpu.memory_space<vmem>>, vector<128x128xf32>
    %get3A_21 = arith.constant 0 : index
    %get3A_22 = arith.constant 0 : index
    %get3A_23 = vector.load %arg3[%get3A_21, %get3A_22] : memref<128x128xf32, #tpu.memory_space<vmem>>, vector<128x128xf32>
    %transpose3A = tpu.transpose %get3A_23, [1, 0] : vector<128x128xf32> -> vector<128x128xf32>
    %add3A_24 = arith.addf %get3A_20, %transpose3A : vector<128x128xf32>
    %mul3A = arith.constant 5.000000e-01 : f32
    %mul3A_25 = vector.broadcast %mul3A : f32 to vector<128x128xf32>
    %mul3A_26 = arith.mulf %mul3A_25, %add3A_24 : vector<128x128xf32>
    %swap3A = arith.constant 0 : index
    %swap3A_27 = arith.constant 0 : index
    %swap3A_28 = vector.load %arg6[%swap3A, %swap3A_27] : memref<1000x128xf32, #tpu.memory_space<vmem>>, vector<1000x128xf32>
    tpu.vector_store %arg6[%swap3A, %swap3A_27], %dot_general3A_17 {strides = array<i32>} : memref<1000x128xf32, #tpu.memory_space<vmem>>, vector<1000x128xf32>,
    %transpose3A_29 = tpu.transpose %mul3A_26, [1, 0] : vector<128x128xf32> -> vector<128x128xf32>
    %dot_general3A_30 = arith.constant dense<0.000000e+00> : vector<1000x128xf32>
    %dot_general3A_31 = tpu.matmul %dot_general3A_17, %transpose3A_29, %dot_general3A_30 {dimension_numbers = #tpu.dot_dimension_numbers<[1], [1], [0], [0], [0, 0, 1, 0], [], []>, precision = #tpu.contract_precision<fp32>, transpose_lhs_hint = false} : vector<1000x128xf32>, vector<128x128xf32>, vector<1000x128xf32> -> vector<1000x128xf32>
    %mul3A_32 = vector.broadcast %rsqrt3A : vector<1000x1xf32> to vector<1000x128xf32>
    %mul3A_33 = arith.mulf %mul3A_32, %dot_general3A_31 : vector<1000x128xf32>
    %swap3A_34 = arith.constant 0 : index
    %swap3A_35 = arith.constant 0 : index
    %swap3A_36 = vector.load %arg7[%swap3A_34, %swap3A_35] : memref<1000x128xf32, #tpu.memory_space<vmem>>, vector<1000x128xf32>
    tpu.vector_store %arg7[%swap3A_34, %swap3A_35], %mul3A_33 {strides = array<i32>} : memref<1000x128xf32, #tpu.memory_space<vmem>>, vector<1000x128xf32>,
    return
  }
  func.func @transform_0(%arg0: i32) -> (i32, i32) {
    %c0_i32 = arith.constant 0 : i32
    %c0_i32_0 = arith.constant 0 : i32
    return %arg0, %c0_i32 : i32, i32
  }
  func.func @transform_1(%arg0: i32) -> (i32, i32) {
    %c0_i32 = arith.constant 0 : i32
    %c0_i32_0 = arith.constant 0 : i32
    %c0_i32_1 = arith.constant 0 : i32
    return %c0_i32, %c0_i32_0 : i32, i32
  }
  func.func @transform_2(%arg0: i32) -> (i32, i32) {
    %c0_i32 = arith.constant 0 : i32
    %c0_i32_0 = arith.constant 0 : i32
    %c0_i32_1 = arith.constant 0 : i32
    return %c0_i32, %c0_i32_0 : i32, i32
  }
  func.func @transform_3(%arg0: i32) -> (i32, i32) {
    %c0_i32 = arith.constant 0 : i32
    %c0_i32_0 = arith.constant 0 : i32
    return %arg0, %c0_i32 : i32, i32
  }
  func.func @transform_4(%arg0: i32) -> (i32, i32) {
    %c0_i32 = arith.constant 0 : i32
    %c0_i32_0 = arith.constant 0 : i32
    return %arg0, %c0_i32 : i32, i32
  }
  func.func @transform_5(%arg0: i32) -> (i32, i32) {
    %c0_i32 = arith.constant 0 : i32
    %c0_i32_0 = arith.constant 0 : i32
    return %arg0, %c0_i32 : i32, i32
  }
  func.func @transform_6(%arg0: i32) -> (i32, i32) {
    %c0_i32 = arith.constant 0 : i32
    %c0_i32_0 = arith.constant 0 : i32
    return %arg0, %c0_i32 : i32, i32
  }
}

module attributes {stable_mosaic.version = 14 : i64} {
  func.func @_tc_update_mm_body(%arg0: i32, %arg1: memref<1000x128xf32, #tpu.memory_space<vmem>>, %arg2: memref<1000x128xf32, #tpu.memory_space<vmem>>, %arg3: memref<1000x128xf32, #tpu.memory_space<vmem>>, %arg4: memref<1000x128xf32, #tpu.memory_space<vmem>>, %arg5: memref<1000x128xf32, #tpu.memory_space<vmem>>, %arg6: memref<1000x16xf32, #tpu.memory_space<vmem>>, %arg7: memref<1000x16xf32, #tpu.memory_space<vmem>>, %arg8: memref<1x128xf32, #tpu.memory_space<vmem>>, %arg9: memref<1x1xf32, #tpu.memory_space<vmem>>, %arg10: memref<128x128xf32, #tpu.memory_space<vmem>>, %arg11: memref<1000x128xf32, #tpu.memory_space<vmem>>, %arg12: memref<1000x128xf32, #tpu.memory_space<vmem>>) attributes {dimension_semantics = [#tpu.dimension_semantics<arbitrary>], iteration_bounds = array<i64: 10>, scalar_prefetch = 0 : i64, scratch_operands = 0 : i64, tpu.core_type = #tpu.core_type<tc>, window_params = [{transform_indices = @transform_0, window_bounds = array<i64: 1000, 128>}, {transform_indices = @transform_1, window_bounds = array<i64: 1000, 128>}, {transform_indices = @transform_2, window_bounds = array<i64: 1000, 128>}, {transform_indices = @transform_3, window_bounds = array<i64: 1000, 128>}, {transform_indices = @transform_4, window_bounds = array<i64: 1000, 128>}, {transform_indices = @transform_5, window_bounds = array<i64: 1000, 16>}, {transform_indices = @transform_6, window_bounds = array<i64: 1000, 16>}, {pipeline_mode = #tpu.pipeline_mode<synchronous>, transform_indices = @transform_7, window_bounds = array<i64: 1, 128>}, {pipeline_mode = #tpu.pipeline_mode<synchronous>, transform_indices = @transform_8, window_bounds = array<i64: 1, 1>}, {pipeline_mode = #tpu.pipeline_mode<synchronous>, transform_indices = @transform_9, window_bounds = array<i64: 128, 128>}, {transform_indices = @transform_10, window_bounds = array<i64: 1000, 128>}, {transform_indices = @transform_11, window_bounds = array<i64: 1000, 128>}]} {
    %get3A = arith.constant 0 : index
    %get3A_0 = arith.constant 0 : index
    %get3A_1 = vector.load %arg6[%get3A, %get3A_0] : memref<1000x16xf32, #tpu.memory_space<vmem>>, vector<1000x16xf32>
    %get3A_2 = arith.constant 0 : index
    %get3A_3 = arith.constant 0 : index
    %get3A_4 = vector.load %arg7[%get3A_2, %get3A_3] : memref<1000x16xf32, #tpu.memory_space<vmem>>, vector<1000x16xf32>
    %slice3A = vector.extract_strided_slice %get3A_1 {offsets = [0, 0], sizes = [1000, 1], strides = [1, 1]} : vector<1000x16xf32> to vector<1000x1xf32>
    %slice3A_5 = vector.extract_strided_slice %get3A_4 {offsets = [0, 0], sizes = [1000, 1], strides = [1, 1]} : vector<1000x16xf32> to vector<1000x1xf32>
    %add3A = arith.addf %slice3A, %slice3A_5 : vector<1000x1xf32>
    %add3A_6 = arith.constant 1.000000e+00 : f32
    %add3A_7 = vector.broadcast %add3A_6 : f32 to vector<1000x1xf32>
    %add3A_8 = arith.addf %add3A, %add3A_7 : vector<1000x1xf32>
    %max3A = arith.constant 9.99999996E-13 : f32
    %max3A_9 = vector.broadcast %max3A : f32 to vector<1000x1xf32>
    %max3A_10 = arith.maximumf %add3A_8, %max3A_9 : vector<1000x1xf32>
    %rsqrt3A = math.rsqrt %max3A_10 : vector<1000x1xf32>
    %get3A_11 = arith.constant 0 : index
    %get3A_12 = arith.constant 0 : index
    %get3A_13 = vector.load %arg1[%get3A_11, %get3A_12] : memref<1000x128xf32, #tpu.memory_space<vmem>>, vector<1000x128xf32>
    %get3A_14 = arith.constant 0 : index
    %get3A_15 = arith.constant 0 : index
    %get3A_16 = vector.load %arg2[%get3A_14, %get3A_15] : memref<1000x128xf32, #tpu.memory_space<vmem>>, vector<1000x128xf32>
    %get3A_17 = arith.constant 0 : index
    %get3A_18 = arith.constant 0 : index
    %get3A_19 = vector.load %arg3[%get3A_17, %get3A_18] : memref<1000x128xf32, #tpu.memory_space<vmem>>, vector<1000x128xf32>
    %get3A_20 = arith.constant 0 : index
    %get3A_21 = arith.constant 0 : index
    %get3A_22 = vector.load %arg4[%get3A_20, %get3A_21] : memref<1000x128xf32, #tpu.memory_space<vmem>>, vector<1000x128xf32>
    %get3A_23 = arith.constant 0 : index
    %get3A_24 = arith.constant 0 : index
    %get3A_25 = vector.load %arg5[%get3A_23, %get3A_24] : memref<1000x128xf32, #tpu.memory_space<vmem>>, vector<1000x128xf32>
    %get3A_26 = arith.constant 0 : index
    %get3A_27 = arith.constant 0 : index
    %get3A_28 = vector.load %arg8[%get3A_26, %get3A_27] : memref<1x128xf32, #tpu.memory_space<vmem>>, vector<1x128xf32>
    %get3A_29 = arith.constant 0 : index
    %get3A_30 = arith.constant 0 : index
    %get3A_31 = vector.load %arg9[%get3A_29, %get3A_30] : memref<1x1xf32, #tpu.memory_space<vmem>>, vector<1x1xf32>
    %get3A_32 = vector.extract %get3A_31[0, 0] : f32 from vector<1x1xf32>
    %add3A_33 = arith.addf %get3A_19, %get3A_22 : vector<1000x128xf32>
    %add3A_34 = arith.addf %add3A_33, %get3A_25 : vector<1000x128xf32>
    %mul3A = vector.broadcast %rsqrt3A : vector<1000x1xf32> to vector<1000x128xf32>
    %mul3A_35 = arith.mulf %mul3A, %add3A_34 : vector<1000x128xf32>
    %mul3A_36 = vector.broadcast %get3A_28 : vector<1x128xf32> to vector<1000x128xf32>
    %mul3A_37 = arith.mulf %get3A_13, %mul3A_36 : vector<1000x128xf32>
    %sub3A = arith.subf %mul3A_35, %mul3A_37 : vector<1000x128xf32>
    %mul3A_38 = vector.broadcast %get3A_32 : f32 to vector<1000x128xf32>
    %mul3A_39 = arith.mulf %mul3A_38, %get3A_16 : vector<1000x128xf32>
    %sub3A_40 = arith.subf %sub3A, %mul3A_39 : vector<1000x128xf32>
    %max3A_41 = arith.constant 0.000000e+00 : f32
    %max3A_42 = vector.broadcast %max3A_41 : f32 to vector<1000x128xf32>
    %max3A_43 = arith.maximumf %sub3A_40, %max3A_42 : vector<1000x128xf32>
    %mul3A_44 = arith.constant 1.000000e+00 : f32
    %mul3A_45 = vector.broadcast %mul3A_44 : f32 to vector<1000x128xf32>
    %mul3A_46 = arith.mulf %mul3A_45, %max3A_43 : vector<1000x128xf32>
    %add3A_47 = arith.addf %get3A_13, %mul3A_46 : vector<1000x128xf32>
    %get3A_48 = arith.constant 0 : index
    %get3A_49 = arith.constant 0 : index
    %get3A_50 = vector.load %arg10[%get3A_48, %get3A_49] : memref<128x128xf32, #tpu.memory_space<vmem>>, vector<128x128xf32>
    %get3A_51 = arith.constant 0 : index
    %get3A_52 = arith.constant 0 : index
    %get3A_53 = vector.load %arg10[%get3A_51, %get3A_52] : memref<128x128xf32, #tpu.memory_space<vmem>>, vector<128x128xf32>
    %transpose3A = tpu.transpose %get3A_53, [1, 0] : vector<128x128xf32> -> vector<128x128xf32>
    %add3A_54 = arith.addf %get3A_50, %transpose3A : vector<128x128xf32>
    %mul3A_55 = arith.constant 5.000000e-01 : f32
    %mul3A_56 = vector.broadcast %mul3A_55 : f32 to vector<128x128xf32>
    %mul3A_57 = arith.mulf %mul3A_56, %add3A_54 : vector<128x128xf32>
    %swap3A = arith.constant 0 : index
    %swap3A_58 = arith.constant 0 : index
    %swap3A_59 = vector.load %arg11[%swap3A, %swap3A_58] : memref<1000x128xf32, #tpu.memory_space<vmem>>, vector<1000x128xf32>
    tpu.vector_store %arg11[%swap3A, %swap3A_58], %add3A_47 {strides = array<i32>} : memref<1000x128xf32, #tpu.memory_space<vmem>>, vector<1000x128xf32>,
    %transpose3A_60 = tpu.transpose %mul3A_57, [1, 0] : vector<128x128xf32> -> vector<128x128xf32>
    %dot_general3A = arith.constant dense<0.000000e+00> : vector<1000x128xf32>
    %dot_general3A_61 = tpu.matmul %add3A_47, %transpose3A_60, %dot_general3A {dimension_numbers = #tpu.dot_dimension_numbers<[1], [1], [0], [0], [0, 0, 1, 0], [], []>, precision = #tpu.contract_precision<fp32>, transpose_lhs_hint = false} : vector<1000x128xf32>, vector<128x128xf32>, vector<1000x128xf32> -> vector<1000x128xf32>
    %mul3A_62 = vector.broadcast %rsqrt3A : vector<1000x1xf32> to vector<1000x128xf32>
    %mul3A_63 = arith.mulf %mul3A_62, %dot_general3A_61 : vector<1000x128xf32>
    %swap3A_64 = arith.constant 0 : index
    %swap3A_65 = arith.constant 0 : index
    %swap3A_66 = vector.load %arg12[%swap3A_64, %swap3A_65] : memref<1000x128xf32, #tpu.memory_space<vmem>>, vector<1000x128xf32>
    tpu.vector_store %arg12[%swap3A_64, %swap3A_65], %mul3A_63 {strides = array<i32>} : memref<1000x128xf32, #tpu.memory_space<vmem>>, vector<1000x128xf32>,
    return
  }
  func.func @transform_0(%arg0: i32) -> (i32, i32) {
    %c0_i32 = arith.constant 0 : i32
    %c0_i32_0 = arith.constant 0 : i32
    return %arg0, %c0_i32 : i32, i32
  }
  func.func @transform_1(%arg0: i32) -> (i32, i32) {
    %c0_i32 = arith.constant 0 : i32
    %c0_i32_0 = arith.constant 0 : i32
    return %arg0, %c0_i32 : i32, i32
  }
  func.func @transform_2(%arg0: i32) -> (i32, i32) {
    %c0_i32 = arith.constant 0 : i32
    %c0_i32_0 = arith.constant 0 : i32
    return %arg0, %c0_i32 : i32, i32
  }
  func.func @transform_3(%arg0: i32) -> (i32, i32) {
    %c0_i32 = arith.constant 0 : i32
    %c0_i32_0 = arith.constant 0 : i32
    return %arg0, %c0_i32 : i32, i32
  }
  func.func @transform_4(%arg0: i32) -> (i32, i32) {
    %c0_i32 = arith.constant 0 : i32
    %c0_i32_0 = arith.constant 0 : i32
    return %arg0, %c0_i32 : i32, i32
  }
  func.func @transform_5(%arg0: i32) -> (i32, i32) {
    %c0_i32 = arith.constant 0 : i32
    %c0_i32_0 = arith.constant 0 : i32
    return %arg0, %c0_i32 : i32, i32
  }
  func.func @transform_6(%arg0: i32) -> (i32, i32) {
    %c0_i32 = arith.constant 0 : i32
    %c0_i32_0 = arith.constant 0 : i32
    return %arg0, %c0_i32 : i32, i32
  }
  func.func @transform_7(%arg0: i32) -> (i32, i32) {
    %c0_i32 = arith.constant 0 : i32
    %c0_i32_0 = arith.constant 0 : i32
    %c0_i32_1 = arith.constant 0 : i32
    return %c0_i32, %c0_i32_0 : i32, i32
  }
  func.func @transform_8(%arg0: i32) -> (i32, i32) {
    %c0_i32 = arith.constant 0 : i32
    %c0_i32_0 = arith.constant 0 : i32
    %c0_i32_1 = arith.constant 0 : i32
    return %c0_i32, %c0_i32_0 : i32, i32
  }
  func.func @transform_9(%arg0: i32) -> (i32, i32) {
    %c0_i32 = arith.constant 0 : i32
    %c0_i32_0 = arith.constant 0 : i32
    %c0_i32_1 = arith.constant 0 : i32
    return %c0_i32, %c0_i32_0 : i32, i32
  }
  func.func @transform_10(%arg0: i32) -> (i32, i32) {
    %c0_i32 = arith.constant 0 : i32
    %c0_i32_0 = arith.constant 0 : i32
    return %arg0, %c0_i32 : i32, i32
  }
  func.func @transform_11(%arg0: i32) -> (i32, i32) {
    %c0_i32 = arith.constant 0 : i32
    %c0_i32_0 = arith.constant 0 : i32
    return %arg0, %c0_i32 : i32, i32
  }
}

module attributes {stable_mosaic.version = 14 : i64} {
  func.func @_tc_update_dec_body(%arg0: i32, %arg1: memref<1000x128xf32, #tpu.memory_space<vmem>>, %arg2: memref<1000x128xf32, #tpu.memory_space<vmem>>, %arg3: memref<1000x128xf32, #tpu.memory_space<vmem>>, %arg4: memref<1000x128xf32, #tpu.memory_space<vmem>>, %arg5: memref<1000x128xf32, #tpu.memory_space<vmem>>, %arg6: memref<1000x16xf32, #tpu.memory_space<vmem>>, %arg7: memref<1000x16xf32, #tpu.memory_space<vmem>>, %arg8: memref<1x128xf32, #tpu.memory_space<vmem>>, %arg9: memref<1x1xf32, #tpu.memory_space<vmem>>, %arg10: memref<64x128xf32, #tpu.memory_space<vmem>>, %arg11: memref<1000x64xf32, #tpu.memory_space<vmem>>) attributes {dimension_semantics = [#tpu.dimension_semantics<arbitrary>], iteration_bounds = array<i64: 10>, scalar_prefetch = 0 : i64, scratch_operands = 0 : i64, tpu.core_type = #tpu.core_type<tc>, window_params = [{transform_indices = @transform_0, window_bounds = array<i64: 1000, 128>}, {transform_indices = @transform_1, window_bounds = array<i64: 1000, 128>}, {transform_indices = @transform_2, window_bounds = array<i64: 1000, 128>}, {transform_indices = @transform_3, window_bounds = array<i64: 1000, 128>}, {transform_indices = @transform_4, window_bounds = array<i64: 1000, 128>}, {transform_indices = @transform_5, window_bounds = array<i64: 1000, 16>}, {transform_indices = @transform_6, window_bounds = array<i64: 1000, 16>}, {pipeline_mode = #tpu.pipeline_mode<synchronous>, transform_indices = @transform_7, window_bounds = array<i64: 1, 128>}, {pipeline_mode = #tpu.pipeline_mode<synchronous>, transform_indices = @transform_8, window_bounds = array<i64: 1, 1>}, {pipeline_mode = #tpu.pipeline_mode<synchronous>, transform_indices = @transform_9, window_bounds = array<i64: 64, 128>}, {transform_indices = @transform_10, window_bounds = array<i64: 1000, 64>}]} {
    %get3A = arith.constant 0 : index
    %get3A_0 = arith.constant 0 : index
    %get3A_1 = vector.load %arg6[%get3A, %get3A_0] : memref<1000x16xf32, #tpu.memory_space<vmem>>, vector<1000x16xf32>
    %get3A_2 = arith.constant 0 : index
    %get3A_3 = arith.constant 0 : index
    %get3A_4 = vector.load %arg7[%get3A_2, %get3A_3] : memref<1000x16xf32, #tpu.memory_space<vmem>>, vector<1000x16xf32>
    %slice3A = vector.extract_strided_slice %get3A_1 {offsets = [0, 0], sizes = [1000, 1], strides = [1, 1]} : vector<1000x16xf32> to vector<1000x1xf32>
    %slice3A_5 = vector.extract_strided_slice %get3A_4 {offsets = [0, 0], sizes = [1000, 1], strides = [1, 1]} : vector<1000x16xf32> to vector<1000x1xf32>
    %add3A = arith.addf %slice3A, %slice3A_5 : vector<1000x1xf32>
    %add3A_6 = arith.constant 1.000000e+00 : f32
    %add3A_7 = vector.broadcast %add3A_6 : f32 to vector<1000x1xf32>
    %add3A_8 = arith.addf %add3A, %add3A_7 : vector<1000x1xf32>
    %max3A = arith.constant 9.99999996E-13 : f32
    %max3A_9 = vector.broadcast %max3A : f32 to vector<1000x1xf32>
    %max3A_10 = arith.maximumf %add3A_8, %max3A_9 : vector<1000x1xf32>
    %rsqrt3A = math.rsqrt %max3A_10 : vector<1000x1xf32>
    %get3A_11 = arith.constant 0 : index
    %get3A_12 = arith.constant 0 : index
    %get3A_13 = vector.load %arg1[%get3A_11, %get3A_12] : memref<1000x128xf32, #tpu.memory_space<vmem>>, vector<1000x128xf32>
    %get3A_14 = arith.constant 0 : index
    %get3A_15 = arith.constant 0 : index
    %get3A_16 = vector.load %arg2[%get3A_14, %get3A_15] : memref<1000x128xf32, #tpu.memory_space<vmem>>, vector<1000x128xf32>
    %get3A_17 = arith.constant 0 : index
    %get3A_18 = arith.constant 0 : index
    %get3A_19 = vector.load %arg3[%get3A_17, %get3A_18] : memref<1000x128xf32, #tpu.memory_space<vmem>>, vector<1000x128xf32>
    %get3A_20 = arith.constant 0 : index
    %get3A_21 = arith.constant 0 : index
    %get3A_22 = vector.load %arg4[%get3A_20, %get3A_21] : memref<1000x128xf32, #tpu.memory_space<vmem>>, vector<1000x128xf32>
    %get3A_23 = arith.constant 0 : index
    %get3A_24 = arith.constant 0 : index
    %get3A_25 = vector.load %arg5[%get3A_23, %get3A_24] : memref<1000x128xf32, #tpu.memory_space<vmem>>, vector<1000x128xf32>
    %get3A_26 = arith.constant 0 : index
    %get3A_27 = arith.constant 0 : index
    %get3A_28 = vector.load %arg8[%get3A_26, %get3A_27] : memref<1x128xf32, #tpu.memory_space<vmem>>, vector<1x128xf32>
    %get3A_29 = arith.constant 0 : index
    %get3A_30 = arith.constant 0 : index
    %get3A_31 = vector.load %arg9[%get3A_29, %get3A_30] : memref<1x1xf32, #tpu.memory_space<vmem>>, vector<1x1xf32>
    %get3A_32 = vector.extract %get3A_31[0, 0] : f32 from vector<1x1xf32>
    %add3A_33 = arith.addf %get3A_19, %get3A_22 : vector<1000x128xf32>
    %add3A_34 = arith.addf %add3A_33, %get3A_25 : vector<1000x128xf32>
    %mul3A = vector.broadcast %rsqrt3A : vector<1000x1xf32> to vector<1000x128xf32>
    %mul3A_35 = arith.mulf %mul3A, %add3A_34 : vector<1000x128xf32>
    %mul3A_36 = vector.broadcast %get3A_28 : vector<1x128xf32> to vector<1000x128xf32>
    %mul3A_37 = arith.mulf %get3A_13, %mul3A_36 : vector<1000x128xf32>
    %sub3A = arith.subf %mul3A_35, %mul3A_37 : vector<1000x128xf32>
    %mul3A_38 = vector.broadcast %get3A_32 : f32 to vector<1000x128xf32>
    %mul3A_39 = arith.mulf %mul3A_38, %get3A_16 : vector<1000x128xf32>
    %sub3A_40 = arith.subf %sub3A, %mul3A_39 : vector<1000x128xf32>
    %max3A_41 = arith.constant 0.000000e+00 : f32
    %max3A_42 = vector.broadcast %max3A_41 : f32 to vector<1000x128xf32>
    %max3A_43 = arith.maximumf %sub3A_40, %max3A_42 : vector<1000x128xf32>
    %mul3A_44 = arith.constant 1.000000e+00 : f32
    %mul3A_45 = vector.broadcast %mul3A_44 : f32 to vector<1000x128xf32>
    %mul3A_46 = arith.mulf %mul3A_45, %max3A_43 : vector<1000x128xf32>
    %add3A_47 = arith.addf %get3A_13, %mul3A_46 : vector<1000x128xf32>
    %get3A_48 = arith.constant 0 : index
    %get3A_49 = arith.constant 0 : index
    %get3A_50 = vector.load %arg10[%get3A_48, %get3A_49] : memref<64x128xf32, #tpu.memory_space<vmem>>, vector<64x128xf32>
    %dot_general3A = arith.constant dense<0.000000e+00> : vector<1000x64xf32>
    %dot_general3A_51 = tpu.matmul %add3A_47, %get3A_50, %dot_general3A {dimension_numbers = #tpu.dot_dimension_numbers<[1], [1], [0], [0], [0, 0, 1, 0], [], []>, precision = #tpu.contract_precision<fp32>, transpose_lhs_hint = false} : vector<1000x128xf32>, vector<64x128xf32>, vector<1000x64xf32> -> vector<1000x64xf32>
    %reduce_max3A = arith.constant dense<0xFF800000> : vector<1000xf32>
    %reduce_max3A_52 = vector.multi_reduction <maximumf>, %dot_general3A_51, %reduce_max3A [1] : vector<1000x64xf32> to vector<1000xf32>
    %broadcast_in_dim3A = vector.shape_cast %reduce_max3A_52 : vector<1000xf32> to vector<1000x1xf32>
    %sub3A_53 = vector.broadcast %broadcast_in_dim3A : vector<1000x1xf32> to vector<1000x64xf32>
    %sub3A_54 = arith.subf %dot_general3A_51, %sub3A_53 : vector<1000x64xf32>
    %exp3A = math.exp %sub3A_54 : vector<1000x64xf32>
    %reduce_sum3A = arith.constant dense<0.000000e+00> : vector<1000xf32>
    %reduce_sum3A_55 = vector.multi_reduction <add>, %exp3A, %reduce_sum3A [1] : vector<1000x64xf32> to vector<1000xf32>
    %broadcast_in_dim3A_56 = vector.shape_cast %reduce_sum3A_55 : vector<1000xf32> to vector<1000x1xf32>
    %log3A = math.log %broadcast_in_dim3A_56 : vector<1000x1xf32>
    %sub3A_57 = vector.broadcast %log3A : vector<1000x1xf32> to vector<1000x64xf32>
    %sub3A_58 = arith.subf %sub3A_54, %sub3A_57 : vector<1000x64xf32>
    %swap3A = arith.constant 0 : index
    %swap3A_59 = arith.constant 0 : index
    %swap3A_60 = vector.load %arg11[%swap3A, %swap3A_59] : memref<1000x64xf32, #tpu.memory_space<vmem>>, vector<1000x64xf32>
    tpu.vector_store %arg11[%swap3A, %swap3A_59], %sub3A_58 {strides = array<i32>} : memref<1000x64xf32, #tpu.memory_space<vmem>>, vector<1000x64xf32>,
    return
  }
  func.func @transform_0(%arg0: i32) -> (i32, i32) {
    %c0_i32 = arith.constant 0 : i32
    %c0_i32_0 = arith.constant 0 : i32
    return %arg0, %c0_i32 : i32, i32
  }
  func.func @transform_1(%arg0: i32) -> (i32, i32) {
    %c0_i32 = arith.constant 0 : i32
    %c0_i32_0 = arith.constant 0 : i32
    return %arg0, %c0_i32 : i32, i32
  }
  func.func @transform_2(%arg0: i32) -> (i32, i32) {
    %c0_i32 = arith.constant 0 : i32
    %c0_i32_0 = arith.constant 0 : i32
    return %arg0, %c0_i32 : i32, i32
  }
  func.func @transform_3(%arg0: i32) -> (i32, i32) {
    %c0_i32 = arith.constant 0 : i32
    %c0_i32_0 = arith.constant 0 : i32
    return %arg0, %c0_i32 : i32, i32
  }
  func.func @transform_4(%arg0: i32) -> (i32, i32) {
    %c0_i32 = arith.constant 0 : i32
    %c0_i32_0 = arith.constant 0 : i32
    return %arg0, %c0_i32 : i32, i32
  }
  func.func @transform_5(%arg0: i32) -> (i32, i32) {
    %c0_i32 = arith.constant 0 : i32
    %c0_i32_0 = arith.constant 0 : i32
    return %arg0, %c0_i32 : i32, i32
  }
  func.func @transform_6(%arg0: i32) -> (i32, i32) {
    %c0_i32 = arith.constant 0 : i32
    %c0_i32_0 = arith.constant 0 : i32
    return %arg0, %c0_i32 : i32, i32
  }
  func.func @transform_7(%arg0: i32) -> (i32, i32) {
    %c0_i32 = arith.constant 0 : i32
    %c0_i32_0 = arith.constant 0 : i32
    %c0_i32_1 = arith.constant 0 : i32
    return %c0_i32, %c0_i32_0 : i32, i32
  }
  func.func @transform_8(%arg0: i32) -> (i32, i32) {
    %c0_i32 = arith.constant 0 : i32
    %c0_i32_0 = arith.constant 0 : i32
    %c0_i32_1 = arith.constant 0 : i32
    return %c0_i32, %c0_i32_0 : i32, i32
  }
  func.func @transform_9(%arg0: i32) -> (i32, i32) {
    %c0_i32 = arith.constant 0 : i32
    %c0_i32_0 = arith.constant 0 : i32
    %c0_i32_1 = arith.constant 0 : i32
    return %c0_i32, %c0_i32_0 : i32, i32
  }
  func.func @transform_10(%arg0: i32) -> (i32, i32) {
    %c0_i32 = arith.constant 0 : i32
    %c0_i32_0 = arith.constant 0 : i32
    return %arg0, %c0_i32 : i32, i32
  }
}

</mosaic_0001>

<sc_bundles>
// kernel: kernel.11.cloned.1.call-start
scs
__scs_entry_jumppad:
0x0: {  	(pc) =	sbr.rel $0x88, $3  }
0x1: {  	(tag) =	ssettag $0x0;
	lr =	simm.s32 $0x1  }
0x2: {  	[smem:$0x3F9A] =	sst lr;
	_ =	strace $0xD0000000  }
0x3: {  	_ = 	snop  }
0x4: {  	_ = 	snop  }
0x5: {  	_ = 	snop  }
0x6: {  	_ = 	snop  }
0x7: {  	_ = 	snop  }
__scs_overlays_trampoline_lowered:
0x8: {  	[smem:$0x3FA9] =	sst s0  }
0x9: {  	[smem:$0x3FAA] =	sst s1  }
0xa: {  	[smem:$0x3FAB] =	sst s2  }
0xb: {  	[smem:$0x3FAC] =	sst s3  }
0xc: {  	[smem:$0x3FAD] =	sst s4  }
0xd: {  	[smem:$0x3FAE] =	sst s5  }
0xe: {  	[smem:$0x3FAF] =	sst s6  }
0xf: {  	[smem:$0x3FB0] =	sst s7  }
0x10: {  	[smem:$0x3FB1] =	sst s8  }
0x11: {  	[smem:$0x3FB2] =	sst s9;
	s0 =	simm.s32 @!p0 $0x0  }
0x12: {  	s1 =	sld [smem:$0x3F98];
	s0 =	simm.s32 @p0 $0x1  }
0x13: {  	[smem:$0x3FB3] =	sst s0;
	s0 =	simm.s32 @!p1 $0x0  }
0x14: {  	s2 =	sld [smem:$0x3F97];
	s0 =	simm.s32 @p1 $0x1  }
0x15: {  	[smem:$0x3FB4] =	sst s0;
	s0 =	simm.s32 @!p2 $0x0  }
0x16: {  	s3 =	sld [smem:$0x3FDB];
	s0 =	simm.s32 @p2 $0x1  }
0x17: {  	s4 =	simm.s32 $0x1BF5;
	[smem:$0x3FB6] =	sst s0  }
0x18: {  	s0 =	sld [smem:$0x3F99];
	_ =	swait.ge [sflag:s4], $0x0  }
0x19: {  	s7 =	sld [smem:$0x3F9A]  }
0x1a: {  	s8 =	sadd.s32 $0xFFFFE003, lr  }
0x1b: {  	s9 =	sadd.s32 $0xFFFFFEF7, lr;
	s5 =	simm.s32 $0xFFFFFFFF;
	p2 =	slt.u32 s8, $0xFFFFF086  }
0x1c: {  	p1 =	slt.u32 s9, $0xF7A;
	s5 =	simm.s32 @!p2 $0x0  }
0x1d: {  	s5 =	simm.s32 @p1 $0x1;
	p0 =	seq.s32 s7, s2  }
0x1e: {  	s7 =	smul.u32 @!p0 $0xF7A, s2;
	p2 =	seq.s32 @!p0 s5, $0x0  }
0x1f: {  	s9 =	smul.u32 $0xF7A, s1;
	s8 =	simm.s32 @!p0 $0x1BF5;
	p2 =	por !p2, p0  }
0x20: {  	[sflag:s8] =	ssyncset.s32 @!p0 $0xFFFFF086;
	s6 =	sadd.s32 @!p0 s3, s7;
	s7 =	simm.s32 @!p0 $0x108  }
0x21: {  	s3 =	sadd.s32 s3, s9;
	s6 =	sadd.s32 @!p0 $0x88, s6;
	s7 =	simm.s32 @p2 $0x1082  }
0x22: {  	[simem:s7], [sflag:s8] =	dma.local @!p0 [hbm:s6], $0xF7A  }
0x23: {  	s9 =	sor.u32 $0xD0000000, s2;
	s6 =	simm.s32 $0x108;
	_ =	swait.ge @!p0 [sflag:s8], $0x0  }
0x24: {  	s3 =	sadd.s32 $0x88, s3;
	s6 =	simm.s32 @!p1 $0x1082;
	[sflag:s4] =	ssyncset.s32 $0xFFFFF086  }
0x25: {  	[simem:s6], [sflag:s4] =	dma.local [hbm:s3], $0xF7A  }
0x26: {  	[smem:$0x3F9A] =	sst s1;
	(tag) =	ssettag s2;
	_ =	strace s9  }
0x27: {  	s1 =	sld [smem:$0x3FAA]  }
0x28: {  	s2 =	sld [smem:$0x3FAB]  }
0x29: {  	s4 =	sld [smem:$0x3FAD]  }
0x2a: {  	p0 =	seq.s32 s5, $0x0;
	s5 =	sld [smem:$0x3FAE]  }
0x2b: {  	s6 =	sld [smem:$0x3FAF]  }
0x2c: {  	s7 =	sld [smem:$0x3FB0]  }
0x2d: {  	s3 =	simm.s32 $0x108;
	s8 =	sld [smem:$0x3FB1]  }
0x2e: {  	s3 =	simm.s32 @!p0 $0x1082;
	s9 =	sld [smem:$0x3FB2]  }
0x2f: {  	lr =	sadd.s32 s0, s3;
	s0 =	sld [smem:$0x3FA9]  }
0x30: {  	s3 =	sld [smem:$0x3FAC]  }
0x31: {  	[smem:$0x3FB5] =	sst s10  }
0x32: {  	s10 =	sld [smem:$0x3FB3];
	_ =	sdelay $0x3  }
0x33: {  	p0 =	seq.s32 s10, $0x1;
	s10 =	sld [smem:$0x3FB5];
	_ =	sdelay $0x3  }
0x34: {  	[smem:$0x3FB5] =	sst s10  }
0x35: {  	s10 =	sld [smem:$0x3FB4];
	_ =	sdelay $0x3  }
0x36: {  	p1 =	seq.s32 s10, $0x1;
	s10 =	sld [smem:$0x3FB5];
	_ =	sdelay $0x3  }
0x37: {  	[smem:$0x3FB5] =	sst s10  }
0x38: {  	s10 =	sld [smem:$0x3FB6]  }
0x39: {  	_ = 	snop;
	(pc) =	sbr.ind lr, $3  }
0x3a: {  	_ = 	snop  }
0x3b: {  	_ = 	snop  }
0x3c: {  	p2 =	seq.s32 s10, $0x1;
	s10 =	sld [smem:$0x3FB5]  }
0x3d: {  	_ =	shalt  }
0x3e: {  	_ =	shalt  }
0x3f: {  	_ =	shalt  }
0x40: {  	_ =	shalt  }
0x41: {  	_ =	shalt  }
0x42: {  	_ =	shalt  }
0x43: {  	_ =	shalt  }
0x44: {  	_ =	shalt  }
0x45: {  	_ =	shalt  }
0x46: {  	_ =	shalt  }
0x47: {  	_ =	shalt  }
0x48: {  	_ =	shalt  }
0x49: {  	_ =	shalt  }
0x4a: {  	_ =	shalt  }
0x4b: {  	_ =	shalt  }
0x4c: {  	_ =	shalt  }
0x4d: {  	_ =	shalt  }
0x4e: {  	_ =	shalt  }
0x4f: {  	_ =	shalt  }
0x50: {  	_ =	shalt  }
0x51: {  	_ =	shalt  }
0x52: {  	_ =	shalt  }
0x53: {  	_ =	shalt  }
0x54: {  	_ =	shalt  }
0x55: {  	_ =	shalt  }
0x56: {  	_ =	shalt  }
0x57: {  	_ =	shalt  }
0x58: {  	_ =	shalt  }
0x59: {  	_ =	shalt  }
0x5a: {  	_ =	shalt  }
0x5b: {  	_ =	shalt  }
0x5c: {  	_ =	shalt  }
0x5d: {  	_ =	shalt  }
0x5e: {  	_ =	shalt  }
0x5f: {  	_ =	shalt  }
0x60: {  	_ =	shalt  }
0x61: {  	_ =	shalt  }
0x62: {  	_ =	shalt  }
0x63: {  	_ =	shalt  }
0x64: {  	_ =	shalt  }
0x65: {  	_ =	shalt  }
0x66: {  	_ =	shalt  }
0x67: {  	_ =	shalt  }
0x68: {  	_ =	shalt  }
0x69: {  	_ =	shalt  }
0x6a: {  	_ =	shalt  }
0x6b: {  	_ =	shalt  }
0x6c: {  	_ =	shalt  }
0x6d: {  	_ =	shalt  }
0x6e: {  	_ =	shalt  }
0x6f: {  	_ =	shalt  }
0x70: {  	_ =	shalt  }
0x71: {  	_ =	shalt  }
0x72: {  	_ =	shalt  }
0x73: {  	_ =	shalt  }
0x74: {  	_ =	shalt  }
0x75: {  	_ =	shalt  }
0x76: {  	_ =	shalt  }
0x77: {  	_ =	shalt  }
0x78: {  	_ =	shalt  }
0x79: {  	_ =	shalt  }
0x7a: {  	_ =	shalt  }
0x7b: {  	_ =	shalt  }
0x7c: {  	_ =	shalt  }
0x7d: {  	_ =	shalt  }
0x7e: {  	_ =	shalt  }
0x7f: {  	_ =	shalt  }
0x80: {  	_ =	shalt  }
0x81: {  	_ =	shalt  }
0x82: {  	_ =	shalt  }
0x83: {  	_ =	shalt  }
0x84: {  	_ =	shalt  }
0x85: {  	_ =	shalt  }
0x86: {  	_ =	shalt  }
0x87: {  	_ =	shalt  }
.Lfunc_end0:
.L_simem_size_0:
called_computation.1_lowered:
.L_overlay_start_0:
0x88: {  	s2 =	sld [smem:$0x3FD9]  }
0x89: {  	s3 =	sld [smem:$0x3FFE];
	_ =	sdelay $0x1  }
0x8a: {  	s1 =	srdreg.scid  }
0x8b: {  	s0 =	sand.u32 $0x1, s1  }
0x8c: {  	s17 =	sshll.u32 s0, $0xA;
	s2 =	sadd.s32 s3, s2  }
0x8d: {  	s2 =	sadd.s32 s2, s17  }
0x8e: {  	[smem:$0x3FC1] =	sst s2  }
0x8f: {  	_ = 	snop  }
0x90: {  	s2 =	sld [smem:$0x3FD0];
	(tm) =	ssettm $0x1  }
0x91: {  	s18 =	sld [smem:$0x3FFB];
	_ =	sdelay $0x3  }
0x92: {  	_ =	strace s18  }
0x93: {  	s3 =	sld [smem:$0x3FFC];
	_ =	sdelay $0x3  }
0x94: {  	_ =	strace s3  }
0x95: {  	s3 =	sld [smem:$0x3FFD];
	_ =	sdelay $0x3  }
0x96: {  	_ =	strace s3  }
0x97: {  	_ =	strace $0x8FFFFFFF  }
0x98: {  	s19 =	sld [smem:$0x3FDB];
	_ =	sdelay $0x1  }
0x99: {  	s4 =	simm.s32 $_scs_section_size  }
0x9a: {  	s5 =	simm.s32 $_size__tile_overlayer_lowered;
	s6 =	simm.s32 $_tile_overlayer_lowered  }
0x9b: {  	s22 =	simm.s32 $0x1BFF;
	s21 =	sshll.u32 s6, $0x1;
	s3 =	sadd.s32 s4, s19  }
0x9c: {  	s7 =	simm.s32 $0x0;
	s20 =	sshll.u32 s5, $0x1;
	s5 =	sadd.s32 s21, s3  }
0x9d: {  	[timem:s7], [sflag:s22] =	dma.local [hbm:s5], s20  }
0x9e: {  	_ =	swait.ge [sflag:s22], s20  }
0x9f: {  	s4 =	ssub.s32 $0x0, s20;
	[sflag:s22] =	ssyncset.done $0x0  }
0xa0: {  	[sflag:s22] =	ssyncadd.s32 s4;
	_ =	sdelay $0x1  }
0xa1: {  	s23 =	simm.s32 $0x1B8B  }
0xa2: {  	_ =	swait.ge [sflag:s23], $0x1  }
0xa3: {  	[sflag:s23] =	ssyncset.done $0x0  }
0xa4: {  	s25 =	simm.s32 $0x1B8E;
	s24 =	sld [smem:$0x3FFE];
	[sflag:s23] =	ssyncadd.s32 $0xFFFFFFFF  }
0xa5: {  	s26 =	simm.s32 $execute0_lowered;
	[smem:$0x3FD2] =	sst s25  }
0xa6: {  	s5 =	sshll.u32 s26, $0x1;
	_ =	strace $0x80000049;
	[dreg:$0x1] =	wrdreg $0xFFFFFFFF  }
0xa7: {  	s28 =	simm.s32 $_size_execute0_lowered;
	s3 =	sadd.s32 s3, s5;
	[dreg:$0x0] =	wrdreg $0x0  }
0xa8: {  	s5 =	sshll.u32 s28, $0x1;
	[dreg:$0x2] =	wrdreg s3  }
0xa9: {  	[dreg:$0x3] =	wrdreg s5  }
0xaa: {  	[dreg:$0x4] =	wrdreg $0xC0  }
0xab: {  	_ =	task [dreg:s7], $0x5FFFF  }
0xac: {  	[dreg:$0x1] =	wrdreg $0xFFFFFFFF  }
0xad: {  	[dreg:$0x0] =	wrdreg $0x60  }
0xae: {  	[dreg:$0x2] =	wrdreg s24  }
0xaf: {  	[dreg:$0x3] =	wrdreg s2  }
0xb0: {  	[dreg:$0x4] =	wrdreg $0xA8000  }
0xb1: {  	[dreg:$0x5] =	wrdreg $0x9  }
0xb2: {  	_ =	task.clear_ibuf [dreg:s7], $0x6FFFF;
	_ =	strace $0x90000049  }
0xb3: {  	s29 =	simm.s32 $0x9;
	_ =	strace $0x8000004B  }
0xb4: {  	_ =	swait.ge [sflag:s29], $0x1  }
0xb5: {  	[sflag:s29] =	ssyncadd.s32 $0xFFFFFFFF  }
0xb6: {  	_ =	strace $0x9000004B  }
0xb7: {  	_ =	sfence  }
0xb8: {  	s30 =	sld [smem:$0x0];
	_ =	sdelay $0x2  }
0xb9: {  	s31 =	sshll.u32 s1, $0xD;
	s1 =	sshrl.u32 s1, $0x2  }
0xba: {  	s3 =	sand.u32 $0x4000, s31;
	s1 =	sadd.s32 s1, s30  }
0xbb: {  	s0 =	sor.u32 s3, s0;
	s1 =	sshll.u32 s1, $0x11  }
0xbc: {  	s0 =	sor.u32 s1, s0  }
0xbd: {  	s0 =	sadd.s32 $0x8F2B, s0  }
0xbe: {  	[sflag:s0] =	ssyncadd.remote.s32 $0x1  }
0xbf: {  	_ =	sfence.sel $0xFFFF  }
0xc0: {  	[dreg:$0x0] =	wrdreg $0xFFFFFFFF;
	(pc) =	sbr.abs _section_cstart, $3  }
0xc1: {  	[dreg:$0x1] =	wrdreg $0xFFFFFFFF  }
0xc2: {  	_ =	task.clear_ibuf [dreg:s7], $0x2FFFF;
	_ =	strace $0x9FFFFFFF  }
0xc3: {  	(tm) =	ssettm $0x7FFFFFFF  }
tec
execute0_lowered:
.L_overlay_start_1:
0x0: {  	(tag) =	ssettag $0x1  }
0x1: {  	s6 =	rddreg [dreg:$0x0]  }
0x2: {  	s7 =	rddreg [dreg:$0x1]  }
0x3: {  	s1 =	rddreg [dreg:$0x2]  }
0x4: {  	s0 =	rddreg [dreg:$0x3]  }
0x5: {  	s3 =	simm.s32 $0x0;
	s2 =	srdreg.scid;
	s14 =	simm.s32 $0x50  }
0x6: {  	s15 =	simm.s32 $0x8000;
	s16 =	simm.s32 $0x1;
	s17 =	simm.s32 $0x0  }
0x7: {  	[smem:$0x7FF] =	sst s3;
	s5 =	sand.u32 $0x1, s2;
	s2 =	stileid.u32  }
0x8: {  	s4 =	sadd.s32 $0x2C400, s6;
	s8 =	smul.u32 $0x140000, s5;
	s9 =	sshll.u32 s5, $0xF  }
0x9: {  	s10 =	sshll.u32 s2, $0xB;
	s11 =	smul.u32 $0x14000, s2;
	_ =	strace $0x8000004A  }
0xa: {  	s29 =	ssub.s32 $0x2, s5;
	s13 =	smul.u32 $0x50000, s2;
	s5 =	sadd.s32 $0x2A00, s6  }
0xb: {  	s31 =	sshll.u32 s2, $0x6;
	s9 =	sor.u32 s10, s9;
	s12 =	sshrl.u32 s29, $0x1  }
0xc: {  	s10 =	sadd.s32 s9, s6;
	s8 =	sadd.s32 s11, s8;
	s11 =	ssub.s32 s29, s12  }
0xd: {  	s7 =	sadd.s32 s7, s9;
	s30 =	sshrl.u32 s13, $0x2;
	s12 =	sor.u32 $0x1C02, s31  }
0xe: {  	s8 =	sshrl.u32 s8, $0x3;
	s13 =	sadd.s32 s30, s1;
	s9 =	smax.u32 s11, $0x1  }
0xf: {  	s11 =	simm.s32 $0x4000;
	s8 =	sadd.s32 s8, s6;
	s6 =	sadd.s32 $0x55200, s10  }
0x10: {  	s10 =	simm.s32 $0x2;
	s13 =	sshrl.u32 s13, $0x3;
	s8 =	sadd.s32 $0x8C400, s8  }
.LBB2_1:
0x11: {  	[tilespmem:s3], [sflag:$0x2] =	stream.linear.gather [hbm4b:s6+s3], $0x3E80, $0x38;
	[tilespmem:$0x1E800] =	vst v63  }
0x12: {  	_ =	swait.ge [sflag:s10], $0x3E80  }
0x13: {  	[sflag:s10] =	ssyncset.done $0x0  }
0x14: {  	[sflag:s10] =	ssyncadd.s32 $0xFFFFC180  }
0x15: {  	[tilespmem:s11], [sflag:$0x2] =	stream.linear.gather [hbm4b:s7+s3], $0x3E80, $0x38;
	[tilespmem:$0x1E800] =	vst v63  }
0x16: {  	_ =	swait.ge [sflag:s10], $0x3E80  }
0x17: {  	[sflag:s10] =	ssyncset.done $0x0  }
0x18: {  	[sflag:s10] =	ssyncadd.s32 $0xFFFFC180  }
0x19: {  	[spmem:s13], [sflag:s12] =	dma.local [hbm:s5], $0x2800  }
0x1a: {  	_ =	swait.ge [sflag:s10], $0x2800  }
0x1b: {  	[sflag:s10] =	ssyncset.done $0x0  }
0x1c: {  	[sflag:s10] =	ssyncadd.s32 $0xFFFFD800  }
0x1d: {  	s18 =	simm.s32 $0x0;
	[bflag:$0x0] =	sbarrier.arrive $0xFFFF  }
0x1e: {  	[tilespmem:s15], [sflag:$0x1] =	stream.indirect.gather [hbm4b:s4+s14], $0x80, s18, s14, $0xb8;
	[tilespmem:$0x1E800] =	vst v63  }
0x1f: {  	_ =	swait.ge [sflag:s16], $0x2800  }
0x20: {  	[sflag:s16] =	ssyncset.done $0x0  }
0x21: {  	s31 =	simm.s32 $0x4000;
	[sflag:s16] =	ssyncadd.s32 $0xFFFFD800  }
0x22: {  	[spmem:s1] =	stream.indirect.scatter.add.f32 [tilespmem:s15], [sflag:$0x2], $0x80, s31, s14, $0xb8;
	[tilespmem:$0x1E800] =	vst v63  }
0x23: {  	_ =	swait.ge [sflag:s10], $0x2800  }
0x24: {  	s19 =	simm.s32 $0x400;
	s18 =	simm.s32 $0x200;
	[sflag:s10] =	ssyncset.done $0x0  }
.LBB2_2:
0x25: {  	s20 =	sshra.s32 s18, $0x2  }
0x26: {  	[sflag:s10] =	ssyncadd.s32 $0xFFFFD800;
	s18 =	smov.u32 s19;
	s21 =	sadd.s32 $0x200, s19  }
0x27: {  	[tilespmem:s15], [sflag:$0x1] =	stream.indirect.gather [hbm4b:s4+s14], $0x80, s20, s14, $0xb8;
	[tilespmem:$0x1E800] =	vst v63  }
0x28: {  	p0 =	sne.s32 s19, $0xF800;
	_ =	swait.ge [sflag:s16], $0x2800  }
.Ltmp0:
0x29: {  	[sflag:s16] =	ssyncset.done $0x0;
	(pc) =	sbr.rel @p0 .LBB2_2-.Ltmp0, $4  }
0x2a: {  	s19 =	sadd.s32 $0x4000, s20;
	[sflag:s16] =	ssyncadd.s32 $0xFFFFD800  }
0x2b: {  	[spmem:s1] =	stream.indirect.scatter.add.f32 [tilespmem:s15], [sflag:$0x2], $0x80, s19, s14, $0xb8;
	[tilespmem:$0x1E800] =	vst v63  }
0x2c: {  	_ =	swait.ge [sflag:s10], $0x2800  }
0x2d: {  	s19 =	smov.u32 s21;
	[sflag:s10] =	ssyncset.done $0x0  }
0x2e: {  	s18 =	sshra.s32 s18, $0x2;
	[sflag:s10] =	ssyncadd.s32 $0xFFFFD800  }
0x2f: {  	[tilespmem:s15], [sflag:$0x1] =	stream.indirect.gather [hbm4b:s4+s14], $0x80, s18, s14, $0xb8;
	[tilespmem:$0x1E800] =	vst v63  }
0x30: {  	_ =	swait.ge [sflag:s16], $0x2800  }
0x31: {  	[sflag:s16] =	ssyncset.done $0x0  }
0x32: {  	s18 =	sadd.s32 $0x4000, s18;
	[sflag:s16] =	ssyncadd.s32 $0xFFFFD800  }
0x33: {  	[spmem:s1] =	stream.indirect.scatter.add.f32 [tilespmem:s15], [sflag:$0x2], $0x80, s18, s14, $0xb8;
	[tilespmem:$0x1E800] =	vst v63  }
0x34: {  	_ =	swait.ge [sflag:s10], $0x2800  }
0x35: {  	s17 =	sadd.s32 $0x1, s17;
	[sflag:s10] =	ssyncset.done $0x0  }
0x36: {  	p0 =	sne.s32 s17, s9;
	[sflag:s10] =	ssyncadd.s32 $0xFFFFD800  }
.Ltmp1:
0x37: {  	[bflag:$0x0] =	sbarrier.arrive $0xFFFF;
	(pc) =	sbr.rel @p0 .LBB2_1-.Ltmp1, $4  }
0x38: {  	[hbm:s8], [sflag:s12] =	dma.local [spmem:s13], $0x2800  }
0x39: {  	_ =	swait.ge [sflag:s10], $0x2800  }
0x3a: {  	[sflag:s10] =	ssyncset.done $0x0  }
0x3b: {  	[sflag:s10] =	ssyncadd.s32 $0xFFFFD800  }
0x3c: {  	_ =	sfence.sel $0x180000  }
0x3d: {  	[bflag:$0x0] =	sbarrier.arrive $0xFFFF  }
0x3e: {  	p0 =	sne.s32 s2, $0x0;
	_ =	strace $0x9000004A  }
0x3f: {  	s0 =	sadd.s32 @!p0 $0x100000, s0;
	[bflag:$0x2] =	sbarrier.arrive $0xFFFF  }
0x40: {  	[sflag:s0] =	ssyncadd.tile.s32 @!p0 $0x1;
	_ =	shalt  }
.Lfunc_end2:
_tile_overlayer_lowered:
.L_overlay_start_2:
0x41: {  	(tag) =	ssettag $0x2  }
0x42: {  	s0 =	rddreg [dreg:$0x0];
	s2 =	stileid.u32  }
0x43: {  	s1 =	rddreg [dreg:$0x1];
	p0 =	sne.s32 s2, $0x0  }
0x44: {  	s3 =	rddreg [dreg:$0x2];
	[bflag:$0x3] =	sbarrier.arrive $0xFFFF;
	s2 =	simm.s32 @!p0 $0x1C02  }
0x45: {  	[timem:s3], [sflag:s2] =	dma.local @!p0 [hbm:s0], s1  }
0x46: {  	s0 =	simm.s32 @!p0 $0x2  }
0x47: {  	_ =	swait.ge @!p0 [sflag:s0], s1  }
0x48: {  	s1 =	ssub.s32 @!p0 $0x0, s1;
	[sflag:s0] =	ssyncset.done @!p0 $0x0  }
0x49: {  	[sflag:s0] =	ssyncadd.s32 @!p0 s1  }
0x4a: {  	[bflag:$0x3] =	sbarrier.arrive $0xFFFF  }
0x4b: {  	_ =	shalt  }

// kernel: kernel.14.cloned.1.call-start
scs
__scs_entry_jumppad:
0x0: {  	(pc) =	sbr.rel $0x88, $3  }
0x1: {  	(tag) =	ssettag $0x0;
	lr =	simm.s32 $0x1  }
0x2: {  	[smem:$0x3F9A] =	sst lr;
	_ =	strace $0xD0000000  }
0x3: {  	_ = 	snop  }
0x4: {  	_ = 	snop  }
0x5: {  	_ = 	snop  }
0x6: {  	_ = 	snop  }
0x7: {  	_ = 	snop  }
__scs_overlays_trampoline_lowered:
0x8: {  	[smem:$0x3FA9] =	sst s0  }
0x9: {  	[smem:$0x3FAA] =	sst s1  }
0xa: {  	[smem:$0x3FAB] =	sst s2  }
0xb: {  	[smem:$0x3FAC] =	sst s3  }
0xc: {  	[smem:$0x3FAD] =	sst s4  }
0xd: {  	[smem:$0x3FAE] =	sst s5  }
0xe: {  	[smem:$0x3FAF] =	sst s6  }
0xf: {  	[smem:$0x3FB0] =	sst s7  }
0x10: {  	[smem:$0x3FB1] =	sst s8  }
0x11: {  	[smem:$0x3FB2] =	sst s9;
	s0 =	simm.s32 @!p0 $0x0  }
0x12: {  	s1 =	sld [smem:$0x3F98];
	s0 =	simm.s32 @p0 $0x1  }
0x13: {  	[smem:$0x3FB3] =	sst s0;
	s0 =	simm.s32 @!p1 $0x0  }
0x14: {  	s2 =	sld [smem:$0x3F97];
	s0 =	simm.s32 @p1 $0x1  }
0x15: {  	[smem:$0x3FB4] =	sst s0;
	s0 =	simm.s32 @!p2 $0x0  }
0x16: {  	s3 =	sld [smem:$0x3FDB];
	s0 =	simm.s32 @p2 $0x1  }
0x17: {  	s4 =	simm.s32 $0x1BF5;
	[smem:$0x3FB6] =	sst s0  }
0x18: {  	s0 =	sld [smem:$0x3F99];
	_ =	swait.ge [sflag:s4], $0x0  }
0x19: {  	s7 =	sld [smem:$0x3F9A]  }
0x1a: {  	s8 =	sadd.s32 $0xFFFFE003, lr  }
0x1b: {  	s9 =	sadd.s32 $0xFFFFFEF7, lr;
	s5 =	simm.s32 $0xFFFFFFFF;
	p2 =	slt.u32 s8, $0xFFFFF086  }
0x1c: {  	p1 =	slt.u32 s9, $0xF7A;
	s5 =	simm.s32 @!p2 $0x0  }
0x1d: {  	s5 =	simm.s32 @p1 $0x1;
	p0 =	seq.s32 s7, s2  }
0x1e: {  	s7 =	smul.u32 @!p0 $0xF7A, s2;
	p2 =	seq.s32 @!p0 s5, $0x0  }
0x1f: {  	s9 =	smul.u32 $0xF7A, s1;
	s8 =	simm.s32 @!p0 $0x1BF5;
	p2 =	por !p2, p0  }
0x20: {  	[sflag:s8] =	ssyncset.s32 @!p0 $0xFFFFF086;
	s6 =	sadd.s32 @!p0 s3, s7;
	s7 =	simm.s32 @!p0 $0x108  }
0x21: {  	s3 =	sadd.s32 s3, s9;
	s6 =	sadd.s32 @!p0 $0x88, s6;
	s7 =	simm.s32 @p2 $0x1082  }
0x22: {  	[simem:s7], [sflag:s8] =	dma.local @!p0 [hbm:s6], $0xF7A  }
0x23: {  	s9 =	sor.u32 $0xD0000000, s2;
	s6 =	simm.s32 $0x108;
	_ =	swait.ge @!p0 [sflag:s8], $0x0  }
0x24: {  	s3 =	sadd.s32 $0x88, s3;
	s6 =	simm.s32 @!p1 $0x1082;
	[sflag:s4] =	ssyncset.s32 $0xFFFFF086  }
0x25: {  	[simem:s6], [sflag:s4] =	dma.local [hbm:s3], $0xF7A  }
0x26: {  	[smem:$0x3F9A] =	sst s1;
	(tag) =	ssettag s2;
	_ =	strace s9  }
0x27: {  	s1 =	sld [smem:$0x3FAA]  }
0x28: {  	s2 =	sld [smem:$0x3FAB]  }
0x29: {  	s4 =	sld [smem:$0x3FAD]  }
0x2a: {  	p0 =	seq.s32 s5, $0x0;
	s5 =	sld [smem:$0x3FAE]  }
0x2b: {  	s6 =	sld [smem:$0x3FAF]  }
0x2c: {  	s7 =	sld [smem:$0x3FB0]  }
0x2d: {  	s3 =	simm.s32 $0x108;
	s8 =	sld [smem:$0x3FB1]  }
0x2e: {  	s3 =	simm.s32 @!p0 $0x1082;
	s9 =	sld [smem:$0x3FB2]  }
0x2f: {  	lr =	sadd.s32 s0, s3;
	s0 =	sld [smem:$0x3FA9]  }
0x30: {  	s3 =	sld [smem:$0x3FAC]  }
0x31: {  	[smem:$0x3FB5] =	sst s10  }
0x32: {  	s10 =	sld [smem:$0x3FB3];
	_ =	sdelay $0x3  }
0x33: {  	p0 =	seq.s32 s10, $0x1;
	s10 =	sld [smem:$0x3FB5];
	_ =	sdelay $0x3  }
0x34: {  	[smem:$0x3FB5] =	sst s10  }
0x35: {  	s10 =	sld [smem:$0x3FB4];
	_ =	sdelay $0x3  }
0x36: {  	p1 =	seq.s32 s10, $0x1;
	s10 =	sld [smem:$0x3FB5];
	_ =	sdelay $0x3  }
0x37: {  	[smem:$0x3FB5] =	sst s10  }
0x38: {  	s10 =	sld [smem:$0x3FB6]  }
0x39: {  	_ = 	snop;
	(pc) =	sbr.ind lr, $3  }
0x3a: {  	_ = 	snop  }
0x3b: {  	_ = 	snop  }
0x3c: {  	p2 =	seq.s32 s10, $0x1;
	s10 =	sld [smem:$0x3FB5]  }
0x3d: {  	_ =	shalt  }
0x3e: {  	_ =	shalt  }
0x3f: {  	_ =	shalt  }
0x40: {  	_ =	shalt  }
0x41: {  	_ =	shalt  }
0x42: {  	_ =	shalt  }
0x43: {  	_ =	shalt  }
0x44: {  	_ =	shalt  }
0x45: {  	_ =	shalt  }
0x46: {  	_ =	shalt  }
0x47: {  	_ =	shalt  }
0x48: {  	_ =	shalt  }
0x49: {  	_ =	shalt  }
0x4a: {  	_ =	shalt  }
0x4b: {  	_ =	shalt  }
0x4c: {  	_ =	shalt  }
0x4d: {  	_ =	shalt  }
0x4e: {  	_ =	shalt  }
0x4f: {  	_ =	shalt  }
0x50: {  	_ =	shalt  }
0x51: {  	_ =	shalt  }
0x52: {  	_ =	shalt  }
0x53: {  	_ =	shalt  }
0x54: {  	_ =	shalt  }
0x55: {  	_ =	shalt  }
0x56: {  	_ =	shalt  }
0x57: {  	_ =	shalt  }
0x58: {  	_ =	shalt  }
0x59: {  	_ =	shalt  }
0x5a: {  	_ =	shalt  }
0x5b: {  	_ =	shalt  }
0x5c: {  	_ =	shalt  }
0x5d: {  	_ =	shalt  }
0x5e: {  	_ =	shalt  }
0x5f: {  	_ =	shalt  }
0x60: {  	_ =	shalt  }
0x61: {  	_ =	shalt  }
0x62: {  	_ =	shalt  }
0x63: {  	_ =	shalt  }
0x64: {  	_ =	shalt  }
0x65: {  	_ =	shalt  }
0x66: {  	_ =	shalt  }
0x67: {  	_ =	shalt  }
0x68: {  	_ =	shalt  }
0x69: {  	_ =	shalt  }
0x6a: {  	_ =	shalt  }
0x6b: {  	_ =	shalt  }
0x6c: {  	_ =	shalt  }
0x6d: {  	_ =	shalt  }
0x6e: {  	_ =	shalt  }
0x6f: {  	_ =	shalt  }
0x70: {  	_ =	shalt  }
0x71: {  	_ =	shalt  }
0x72: {  	_ =	shalt  }
0x73: {  	_ =	shalt  }
0x74: {  	_ =	shalt  }
0x75: {  	_ =	shalt  }
0x76: {  	_ =	shalt  }
0x77: {  	_ =	shalt  }
0x78: {  	_ =	shalt  }
0x79: {  	_ =	shalt  }
0x7a: {  	_ =	shalt  }
0x7b: {  	_ =	shalt  }
0x7c: {  	_ =	shalt  }
0x7d: {  	_ =	shalt  }
0x7e: {  	_ =	shalt  }
0x7f: {  	_ =	shalt  }
0x80: {  	_ =	shalt  }
0x81: {  	_ =	shalt  }
0x82: {  	_ =	shalt  }
0x83: {  	_ =	shalt  }
0x84: {  	_ =	shalt  }
0x85: {  	_ =	shalt  }
0x86: {  	_ =	shalt  }
0x87: {  	_ =	shalt  }
.Lfunc_end0:
.L_simem_size_0:
called_computation.2_lowered:
.L_overlay_start_0:
0x88: {  	s2 =	sld [smem:$0x3FD9]  }
0x89: {  	s3 =	sld [smem:$0x3FFE];
	_ =	sdelay $0x1  }
0x8a: {  	s1 =	srdreg.scid  }
0x8b: {  	s0 =	sand.u32 $0x1, s1  }
0x8c: {  	s17 =	sshll.u32 s0, $0xA;
	s2 =	sadd.s32 s3, s2  }
0x8d: {  	s2 =	sadd.s32 s2, s17  }
0x8e: {  	[smem:$0x3FC1] =	sst s2  }
0x8f: {  	_ = 	snop  }
0x90: {  	s2 =	sld [smem:$0x3FD0];
	(tm) =	ssettm $0x1  }
0x91: {  	s18 =	sld [smem:$0x3FFB];
	_ =	sdelay $0x3  }
0x92: {  	_ =	strace s18  }
0x93: {  	s3 =	sld [smem:$0x3FFC];
	_ =	sdelay $0x3  }
0x94: {  	_ =	strace s3  }
0x95: {  	s3 =	sld [smem:$0x3FFD];
	_ =	sdelay $0x3  }
0x96: {  	_ =	strace s3  }
0x97: {  	_ =	strace $0x8FFFFFFF  }
0x98: {  	s19 =	sld [smem:$0x3FDB];
	_ =	sdelay $0x1  }
0x99: {  	s4 =	simm.s32 $_scs_section_size  }
0x9a: {  	s5 =	simm.s32 $_size__tile_overlayer_lowered;
	s6 =	simm.s32 $_tile_overlayer_lowered  }
0x9b: {  	s22 =	simm.s32 $0x1BFF;
	s21 =	sshll.u32 s6, $0x1;
	s3 =	sadd.s32 s4, s19  }
0x9c: {  	s7 =	simm.s32 $0x0;
	s20 =	sshll.u32 s5, $0x1;
	s5 =	sadd.s32 s21, s3  }
0x9d: {  	[timem:s7], [sflag:s22] =	dma.local [hbm:s5], s20  }
0x9e: {  	_ =	swait.ge [sflag:s22], s20  }
0x9f: {  	s4 =	ssub.s32 $0x0, s20;
	[sflag:s22] =	ssyncset.done $0x0  }
0xa0: {  	[sflag:s22] =	ssyncadd.s32 s4;
	_ =	sdelay $0x1  }
0xa1: {  	s23 =	simm.s32 $0x1B8B  }
0xa2: {  	_ =	swait.ge [sflag:s23], $0x1  }
0xa3: {  	[sflag:s23] =	ssyncset.done $0x0  }
0xa4: {  	s25 =	simm.s32 $0x1B8E;
	s24 =	sld [smem:$0x3FFE];
	[sflag:s23] =	ssyncadd.s32 $0xFFFFFFFF  }
0xa5: {  	s26 =	simm.s32 $execute0_lowered;
	[smem:$0x3FD2] =	sst s25  }
0xa6: {  	s5 =	sshll.u32 s26, $0x1;
	_ =	strace $0x8000004C;
	[dreg:$0x1] =	wrdreg $0xFFFFFFFF  }
0xa7: {  	s28 =	simm.s32 $_size_execute0_lowered;
	s3 =	sadd.s32 s3, s5;
	[dreg:$0x0] =	wrdreg $0x0  }
0xa8: {  	s5 =	sshll.u32 s28, $0x1;
	[dreg:$0x2] =	wrdreg s3  }
0xa9: {  	[dreg:$0x3] =	wrdreg s5  }
0xaa: {  	[dreg:$0x4] =	wrdreg $0xC0  }
0xab: {  	_ =	task [dreg:s7], $0x5FFFF  }
0xac: {  	[dreg:$0x1] =	wrdreg $0xFFFFFFFF  }
0xad: {  	[dreg:$0x0] =	wrdreg $0x60  }
0xae: {  	[dreg:$0x2] =	wrdreg s24  }
0xaf: {  	[dreg:$0x3] =	wrdreg s2  }
0xb0: {  	[dreg:$0x4] =	wrdreg $0xA8000  }
0xb1: {  	[dreg:$0x5] =	wrdreg $0x9  }
0xb2: {  	_ =	task.clear_ibuf [dreg:s7], $0x6FFFF;
	_ =	strace $0x9000004C  }
0xb3: {  	s29 =	simm.s32 $0x9;
	_ =	strace $0x8000004E  }
0xb4: {  	_ =	swait.ge [sflag:s29], $0x1  }
0xb5: {  	[sflag:s29] =	ssyncadd.s32 $0xFFFFFFFF  }
0xb6: {  	_ =	strace $0x9000004E  }
0xb7: {  	_ =	sfence  }
0xb8: {  	s30 =	sld [smem:$0x0];
	_ =	sdelay $0x2  }
0xb9: {  	s31 =	sshll.u32 s1, $0xD;
	s1 =	sshrl.u32 s1, $0x2  }
0xba: {  	s3 =	sand.u32 $0x4000, s31;
	s1 =	sadd.s32 s1, s30  }
0xbb: {  	s0 =	sor.u32 s3, s0;
	s1 =	sshll.u32 s1, $0x11  }
0xbc: {  	s0 =	sor.u32 s1, s0  }
0xbd: {  	s0 =	sadd.s32 $0x8F2B, s0  }
0xbe: {  	[sflag:s0] =	ssyncadd.remote.s32 $0x1  }
0xbf: {  	_ =	sfence.sel $0xFFFF  }
0xc0: {  	[dreg:$0x0] =	wrdreg $0xFFFFFFFF;
	(pc) =	sbr.abs _section_cstart, $3  }
0xc1: {  	[dreg:$0x1] =	wrdreg $0xFFFFFFFF  }
0xc2: {  	_ =	task.clear_ibuf [dreg:s7], $0x2FFFF;
	_ =	strace $0x9FFFFFFF  }
0xc3: {  	(tm) =	ssettm $0x7FFFFFFF  }
tec
execute0_lowered:
.L_overlay_start_1:
0x0: {  	(tag) =	ssettag $0x1  }
0x1: {  	s6 =	rddreg [dreg:$0x0]  }
0x2: {  	s7 =	rddreg [dreg:$0x1]  }
0x3: {  	s1 =	rddreg [dreg:$0x2]  }
0x4: {  	s0 =	rddreg [dreg:$0x3]  }
0x5: {  	s3 =	simm.s32 $0x0;
	s2 =	srdreg.scid;
	s14 =	simm.s32 $0x50  }
0x6: {  	s15 =	simm.s32 $0x8000;
	s16 =	simm.s32 $0x1;
	s17 =	simm.s32 $0x0  }
0x7: {  	[smem:$0x7FF] =	sst s3;
	s5 =	sand.u32 $0x1, s2;
	s2 =	stileid.u32  }
0x8: {  	s4 =	sadd.s32 $0x2C400, s6;
	s8 =	smul.u32 $0x140000, s5;
	s9 =	sshll.u32 s5, $0xF  }
0x9: {  	s10 =	sshll.u32 s2, $0xB;
	s11 =	smul.u32 $0x14000, s2;
	_ =	strace $0x8000004D  }
0xa: {  	s29 =	ssub.s32 $0x2, s5;
	s13 =	smul.u32 $0x50000, s2;
	s5 =	sadd.s32 $0x2A00, s6  }
0xb: {  	s31 =	sshll.u32 s2, $0x6;
	s9 =	sor.u32 s10, s9;
	s12 =	sshrl.u32 s29, $0x1  }
0xc: {  	s10 =	sadd.s32 s9, s6;
	s8 =	sadd.s32 s11, s8;
	s11 =	ssub.s32 s29, s12  }
0xd: {  	s7 =	sadd.s32 s7, s9;
	s30 =	sshrl.u32 s13, $0x2;
	s12 =	sor.u32 $0x1C02, s31  }
0xe: {  	s8 =	sshrl.u32 s8, $0x3;
	s13 =	sadd.s32 s30, s1;
	s9 =	smax.u32 s11, $0x1  }
0xf: {  	s11 =	simm.s32 $0x4000;
	s8 =	sadd.s32 s8, s6;
	s6 =	sadd.s32 $0x55200, s10  }
0x10: {  	s10 =	simm.s32 $0x2;
	s13 =	sshrl.u32 s13, $0x3;
	s8 =	sadd.s32 $0x8C400, s8  }
.LBB2_1:
0x11: {  	[tilespmem:s3], [sflag:$0x2] =	stream.linear.gather [hbm4b:s6+s3], $0x3E80, $0x38;
	[tilespmem:$0x1E800] =	vst v63  }
0x12: {  	_ =	swait.ge [sflag:s10], $0x3E80  }
0x13: {  	[sflag:s10] =	ssyncset.done $0x0  }
0x14: {  	[sflag:s10] =	ssyncadd.s32 $0xFFFFC180  }
0x15: {  	[tilespmem:s11], [sflag:$0x2] =	stream.linear.gather [hbm4b:s7+s3], $0x3E80, $0x38;
	[tilespmem:$0x1E800] =	vst v63  }
0x16: {  	_ =	swait.ge [sflag:s10], $0x3E80  }
0x17: {  	[sflag:s10] =	ssyncset.done $0x0  }
0x18: {  	[sflag:s10] =	ssyncadd.s32 $0xFFFFC180  }
0x19: {  	[spmem:s13], [sflag:s12] =	dma.local [hbm:s5], $0x2800  }
0x1a: {  	_ =	swait.ge [sflag:s10], $0x2800  }
0x1b: {  	[sflag:s10] =	ssyncset.done $0x0  }
0x1c: {  	[sflag:s10] =	ssyncadd.s32 $0xFFFFD800  }
0x1d: {  	s18 =	simm.s32 $0x0;
	[bflag:$0x0] =	sbarrier.arrive $0xFFFF  }
0x1e: {  	[tilespmem:s15], [sflag:$0x1] =	stream.indirect.gather [hbm4b:s4+s14], $0x80, s18, s14, $0xb8;
	[tilespmem:$0x1E800] =	vst v63  }
0x1f: {  	_ =	swait.ge [sflag:s16], $0x2800  }
0x20: {  	[sflag:s16] =	ssyncset.done $0x0  }
0x21: {  	s31 =	simm.s32 $0x4000;
	[sflag:s16] =	ssyncadd.s32 $0xFFFFD800  }
0x22: {  	[spmem:s1] =	stream.indirect.scatter.add.f32 [tilespmem:s15], [sflag:$0x2], $0x80, s31, s14, $0xb8;
	[tilespmem:$0x1E800] =	vst v63  }
0x23: {  	_ =	swait.ge [sflag:s10], $0x2800  }
0x24: {  	s19 =	simm.s32 $0x400;
	s18 =	simm.s32 $0x200;
	[sflag:s10] =	ssyncset.done $0x0  }
.LBB2_2:
0x25: {  	s20 =	sshra.s32 s18, $0x2  }
0x26: {  	[sflag:s10] =	ssyncadd.s32 $0xFFFFD800;
	s18 =	smov.u32 s19;
	s21 =	sadd.s32 $0x200, s19  }
0x27: {  	[tilespmem:s15], [sflag:$0x1] =	stream.indirect.gather [hbm4b:s4+s14], $0x80, s20, s14, $0xb8;
	[tilespmem:$0x1E800] =	vst v63  }
0x28: {  	p0 =	sne.s32 s19, $0xF800;
	_ =	swait.ge [sflag:s16], $0x2800  }
.Ltmp0:
0x29: {  	[sflag:s16] =	ssyncset.done $0x0;
	(pc) =	sbr.rel @p0 .LBB2_2-.Ltmp0, $4  }
0x2a: {  	s19 =	sadd.s32 $0x4000, s20;
	[sflag:s16] =	ssyncadd.s32 $0xFFFFD800  }
0x2b: {  	[spmem:s1] =	stream.indirect.scatter.add.f32 [tilespmem:s15], [sflag:$0x2], $0x80, s19, s14, $0xb8;
	[tilespmem:$0x1E800] =	vst v63  }
0x2c: {  	_ =	swait.ge [sflag:s10], $0x2800  }
0x2d: {  	s19 =	smov.u32 s21;
	[sflag:s10] =	ssyncset.done $0x0  }
0x2e: {  	s18 =	sshra.s32 s18, $0x2;
	[sflag:s10] =	ssyncadd.s32 $0xFFFFD800  }
0x2f: {  	[tilespmem:s15], [sflag:$0x1] =	stream.indirect.gather [hbm4b:s4+s14], $0x80, s18, s14, $0xb8;
	[tilespmem:$0x1E800] =	vst v63  }
0x30: {  	_ =	swait.ge [sflag:s16], $0x2800  }
0x31: {  	[sflag:s16] =	ssyncset.done $0x0  }
0x32: {  	s18 =	sadd.s32 $0x4000, s18;
	[sflag:s16] =	ssyncadd.s32 $0xFFFFD800  }
0x33: {  	[spmem:s1] =	stream.indirect.scatter.add.f32 [tilespmem:s15], [sflag:$0x2], $0x80, s18, s14, $0xb8;
	[tilespmem:$0x1E800] =	vst v63  }
0x34: {  	_ =	swait.ge [sflag:s10], $0x2800  }
0x35: {  	s17 =	sadd.s32 $0x1, s17;
	[sflag:s10] =	ssyncset.done $0x0  }
0x36: {  	p0 =	sne.s32 s17, s9;
	[sflag:s10] =	ssyncadd.s32 $0xFFFFD800  }
.Ltmp1:
0x37: {  	[bflag:$0x0] =	sbarrier.arrive $0xFFFF;
	(pc) =	sbr.rel @p0 .LBB2_1-.Ltmp1, $4  }
0x38: {  	[hbm:s8], [sflag:s12] =	dma.local [spmem:s13], $0x2800  }
0x39: {  	_ =	swait.ge [sflag:s10], $0x2800  }
0x3a: {  	[sflag:s10] =	ssyncset.done $0x0  }
0x3b: {  	[sflag:s10] =	ssyncadd.s32 $0xFFFFD800  }
0x3c: {  	_ =	sfence.sel $0x180000  }
0x3d: {  	[bflag:$0x0] =	sbarrier.arrive $0xFFFF  }
0x3e: {  	p0 =	sne.s32 s2, $0x0;
	_ =	strace $0x9000004D  }
0x3f: {  	s0 =	sadd.s32 @!p0 $0x100000, s0;
	[bflag:$0x2] =	sbarrier.arrive $0xFFFF  }
0x40: {  	[sflag:s0] =	ssyncadd.tile.s32 @!p0 $0x1;
	_ =	shalt  }
.Lfunc_end2:
_tile_overlayer_lowered:
.L_overlay_start_2:
0x41: {  	(tag) =	ssettag $0x2  }
0x42: {  	s0 =	rddreg [dreg:$0x0];
	s2 =	stileid.u32  }
0x43: {  	s1 =	rddreg [dreg:$0x1];
	p0 =	sne.s32 s2, $0x0  }
0x44: {  	s3 =	rddreg [dreg:$0x2];
	[bflag:$0x3] =	sbarrier.arrive $0xFFFF;
	s2 =	simm.s32 @!p0 $0x1C02  }
0x45: {  	[timem:s3], [sflag:s2] =	dma.local @!p0 [hbm:s0], s1  }
0x46: {  	s0 =	simm.s32 @!p0 $0x2  }
0x47: {  	_ =	swait.ge @!p0 [sflag:s0], s1  }
0x48: {  	s1 =	ssub.s32 @!p0 $0x0, s1;
	[sflag:s0] =	ssyncset.done @!p0 $0x0  }
0x49: {  	[sflag:s0] =	ssyncadd.s32 @!p0 s1  }
0x4a: {  	[bflag:$0x3] =	sbarrier.arrive $0xFFFF  }
0x4b: {  	_ =	shalt  }

// kernel: kernel.8.cloned.1.call-start
scs
__scs_entry_jumppad:
0x0: {  	(pc) =	sbr.rel $0x88, $3  }
0x1: {  	(tag) =	ssettag $0x0;
	lr =	simm.s32 $0x1  }
0x2: {  	[smem:$0x3F9A] =	sst lr;
	_ =	strace $0xD0000000  }
0x3: {  	_ = 	snop  }
0x4: {  	_ = 	snop  }
0x5: {  	_ = 	snop  }
0x6: {  	_ = 	snop  }
0x7: {  	_ = 	snop  }
__scs_overlays_trampoline_lowered:
0x8: {  	[smem:$0x3FA9] =	sst s0  }
0x9: {  	[smem:$0x3FAA] =	sst s1  }
0xa: {  	[smem:$0x3FAB] =	sst s2  }
0xb: {  	[smem:$0x3FAC] =	sst s3  }
0xc: {  	[smem:$0x3FAD] =	sst s4  }
0xd: {  	[smem:$0x3FAE] =	sst s5  }
0xe: {  	[smem:$0x3FAF] =	sst s6  }
0xf: {  	[smem:$0x3FB0] =	sst s7  }
0x10: {  	[smem:$0x3FB1] =	sst s8  }
0x11: {  	[smem:$0x3FB2] =	sst s9;
	s0 =	simm.s32 @!p0 $0x0  }
0x12: {  	s1 =	sld [smem:$0x3F98];
	s0 =	simm.s32 @p0 $0x1  }
0x13: {  	[smem:$0x3FB3] =	sst s0;
	s0 =	simm.s32 @!p1 $0x0  }
0x14: {  	s2 =	sld [smem:$0x3F97];
	s0 =	simm.s32 @p1 $0x1  }
0x15: {  	[smem:$0x3FB4] =	sst s0;
	s0 =	simm.s32 @!p2 $0x0  }
0x16: {  	s3 =	sld [smem:$0x3FDB];
	s0 =	simm.s32 @p2 $0x1  }
0x17: {  	s4 =	simm.s32 $0x1BF5;
	[smem:$0x3FB6] =	sst s0  }
0x18: {  	s0 =	sld [smem:$0x3F99];
	_ =	swait.ge [sflag:s4], $0x0  }
0x19: {  	s7 =	sld [smem:$0x3F9A]  }
0x1a: {  	s8 =	sadd.s32 $0xFFFFE003, lr  }
0x1b: {  	s9 =	sadd.s32 $0xFFFFFEF7, lr;
	s5 =	simm.s32 $0xFFFFFFFF;
	p2 =	slt.u32 s8, $0xFFFFF086  }
0x1c: {  	p1 =	slt.u32 s9, $0xF7A;
	s5 =	simm.s32 @!p2 $0x0  }
0x1d: {  	s5 =	simm.s32 @p1 $0x1;
	p0 =	seq.s32 s7, s2  }
0x1e: {  	s7 =	smul.u32 @!p0 $0xF7A, s2;
	p2 =	seq.s32 @!p0 s5, $0x0  }
0x1f: {  	s9 =	smul.u32 $0xF7A, s1;
	s8 =	simm.s32 @!p0 $0x1BF5;
	p2 =	por !p2, p0  }
0x20: {  	[sflag:s8] =	ssyncset.s32 @!p0 $0xFFFFF086;
	s6 =	sadd.s32 @!p0 s3, s7;
	s7 =	simm.s32 @!p0 $0x108  }
0x21: {  	s3 =	sadd.s32 s3, s9;
	s6 =	sadd.s32 @!p0 $0x88, s6;
	s7 =	simm.s32 @p2 $0x1082  }
0x22: {  	[simem:s7], [sflag:s8] =	dma.local @!p0 [hbm:s6], $0xF7A  }
0x23: {  	s9 =	sor.u32 $0xD0000000, s2;
	s6 =	simm.s32 $0x108;
	_ =	swait.ge @!p0 [sflag:s8], $0x0  }
0x24: {  	s3 =	sadd.s32 $0x88, s3;
	s6 =	simm.s32 @!p1 $0x1082;
	[sflag:s4] =	ssyncset.s32 $0xFFFFF086  }
0x25: {  	[simem:s6], [sflag:s4] =	dma.local [hbm:s3], $0xF7A  }
0x26: {  	[smem:$0x3F9A] =	sst s1;
	(tag) =	ssettag s2;
	_ =	strace s9  }
0x27: {  	s1 =	sld [smem:$0x3FAA]  }
0x28: {  	s2 =	sld [smem:$0x3FAB]  }
0x29: {  	s4 =	sld [smem:$0x3FAD]  }
0x2a: {  	p0 =	seq.s32 s5, $0x0;
	s5 =	sld [smem:$0x3FAE]  }
0x2b: {  	s6 =	sld [smem:$0x3FAF]  }
0x2c: {  	s7 =	sld [smem:$0x3FB0]  }
0x2d: {  	s3 =	simm.s32 $0x108;
	s8 =	sld [smem:$0x3FB1]  }
0x2e: {  	s3 =	simm.s32 @!p0 $0x1082;
	s9 =	sld [smem:$0x3FB2]  }
0x2f: {  	lr =	sadd.s32 s0, s3;
	s0 =	sld [smem:$0x3FA9]  }
0x30: {  	s3 =	sld [smem:$0x3FAC]  }
0x31: {  	[smem:$0x3FB5] =	sst s10  }
0x32: {  	s10 =	sld [smem:$0x3FB3];
	_ =	sdelay $0x3  }
0x33: {  	p0 =	seq.s32 s10, $0x1;
	s10 =	sld [smem:$0x3FB5];
	_ =	sdelay $0x3  }
0x34: {  	[smem:$0x3FB5] =	sst s10  }
0x35: {  	s10 =	sld [smem:$0x3FB4];
	_ =	sdelay $0x3  }
0x36: {  	p1 =	seq.s32 s10, $0x1;
	s10 =	sld [smem:$0x3FB5];
	_ =	sdelay $0x3  }
0x37: {  	[smem:$0x3FB5] =	sst s10  }
0x38: {  	s10 =	sld [smem:$0x3FB6]  }
0x39: {  	_ = 	snop;
	(pc) =	sbr.ind lr, $3  }
0x3a: {  	_ = 	snop  }
0x3b: {  	_ = 	snop  }
0x3c: {  	p2 =	seq.s32 s10, $0x1;
	s10 =	sld [smem:$0x3FB5]  }
0x3d: {  	_ =	shalt  }
0x3e: {  	_ =	shalt  }
0x3f: {  	_ =	shalt  }
0x40: {  	_ =	shalt  }
0x41: {  	_ =	shalt  }
0x42: {  	_ =	shalt  }
0x43: {  	_ =	shalt  }
0x44: {  	_ =	shalt  }
0x45: {  	_ =	shalt  }
0x46: {  	_ =	shalt  }
0x47: {  	_ =	shalt  }
0x48: {  	_ =	shalt  }
0x49: {  	_ =	shalt  }
0x4a: {  	_ =	shalt  }
0x4b: {  	_ =	shalt  }
0x4c: {  	_ =	shalt  }
0x4d: {  	_ =	shalt  }
0x4e: {  	_ =	shalt  }
0x4f: {  	_ =	shalt  }
0x50: {  	_ =	shalt  }
0x51: {  	_ =	shalt  }
0x52: {  	_ =	shalt  }
0x53: {  	_ =	shalt  }
0x54: {  	_ =	shalt  }
0x55: {  	_ =	shalt  }
0x56: {  	_ =	shalt  }
0x57: {  	_ =	shalt  }
0x58: {  	_ =	shalt  }
0x59: {  	_ =	shalt  }
0x5a: {  	_ =	shalt  }
0x5b: {  	_ =	shalt  }
0x5c: {  	_ =	shalt  }
0x5d: {  	_ =	shalt  }
0x5e: {  	_ =	shalt  }
0x5f: {  	_ =	shalt  }
0x60: {  	_ =	shalt  }
0x61: {  	_ =	shalt  }
0x62: {  	_ =	shalt  }
0x63: {  	_ =	shalt  }
0x64: {  	_ =	shalt  }
0x65: {  	_ =	shalt  }
0x66: {  	_ =	shalt  }
0x67: {  	_ =	shalt  }
0x68: {  	_ =	shalt  }
0x69: {  	_ =	shalt  }
0x6a: {  	_ =	shalt  }
0x6b: {  	_ =	shalt  }
0x6c: {  	_ =	shalt  }
0x6d: {  	_ =	shalt  }
0x6e: {  	_ =	shalt  }
0x6f: {  	_ =	shalt  }
0x70: {  	_ =	shalt  }
0x71: {  	_ =	shalt  }
0x72: {  	_ =	shalt  }
0x73: {  	_ =	shalt  }
0x74: {  	_ =	shalt  }
0x75: {  	_ =	shalt  }
0x76: {  	_ =	shalt  }
0x77: {  	_ =	shalt  }
0x78: {  	_ =	shalt  }
0x79: {  	_ =	shalt  }
0x7a: {  	_ =	shalt  }
0x7b: {  	_ =	shalt  }
0x7c: {  	_ =	shalt  }
0x7d: {  	_ =	shalt  }
0x7e: {  	_ =	shalt  }
0x7f: {  	_ =	shalt  }
0x80: {  	_ =	shalt  }
0x81: {  	_ =	shalt  }
0x82: {  	_ =	shalt  }
0x83: {  	_ =	shalt  }
0x84: {  	_ =	shalt  }
0x85: {  	_ =	shalt  }
0x86: {  	_ =	shalt  }
0x87: {  	_ =	shalt  }
.Lfunc_end0:
.L_simem_size_0:
called_computation_lowered:
.L_overlay_start_0:
0x88: {  	s2 =	sld [smem:$0x3FD9]  }
0x89: {  	s3 =	sld [smem:$0x3FFE];
	_ =	sdelay $0x1  }
0x8a: {  	s1 =	srdreg.scid  }
0x8b: {  	s0 =	sand.u32 $0x1, s1  }
0x8c: {  	s17 =	sshll.u32 s0, $0xA;
	s2 =	sadd.s32 s3, s2  }
0x8d: {  	s2 =	sadd.s32 s2, s17  }
0x8e: {  	[smem:$0x3FC1] =	sst s2  }
0x8f: {  	_ = 	snop  }
0x90: {  	s2 =	sld [smem:$0x3FD0];
	(tm) =	ssettm $0x1  }
0x91: {  	s18 =	sld [smem:$0x3FFB];
	_ =	sdelay $0x3  }
0x92: {  	_ =	strace s18  }
0x93: {  	s3 =	sld [smem:$0x3FFC];
	_ =	sdelay $0x3  }
0x94: {  	_ =	strace s3  }
0x95: {  	s3 =	sld [smem:$0x3FFD];
	_ =	sdelay $0x3  }
0x96: {  	_ =	strace s3  }
0x97: {  	_ =	strace $0x8FFFFFFF  }
0x98: {  	s19 =	sld [smem:$0x3FDB];
	_ =	sdelay $0x1  }
0x99: {  	s4 =	simm.s32 $_scs_section_size  }
0x9a: {  	s5 =	simm.s32 $_size__tile_overlayer_lowered;
	s6 =	simm.s32 $_tile_overlayer_lowered  }
0x9b: {  	s22 =	simm.s32 $0x1BFF;
	s21 =	sshll.u32 s6, $0x1;
	s3 =	sadd.s32 s4, s19  }
0x9c: {  	s7 =	simm.s32 $0x0;
	s20 =	sshll.u32 s5, $0x1;
	s5 =	sadd.s32 s21, s3  }
0x9d: {  	[timem:s7], [sflag:s22] =	dma.local [hbm:s5], s20  }
0x9e: {  	_ =	swait.ge [sflag:s22], s20  }
0x9f: {  	s4 =	ssub.s32 $0x0, s20;
	[sflag:s22] =	ssyncset.done $0x0  }
0xa0: {  	[sflag:s22] =	ssyncadd.s32 s4;
	_ =	sdelay $0x1  }
0xa1: {  	s23 =	simm.s32 $0x1B8B  }
0xa2: {  	_ =	swait.ge [sflag:s23], $0x1  }
0xa3: {  	[sflag:s23] =	ssyncset.done $0x0  }
0xa4: {  	s25 =	simm.s32 $0x1B8E;
	s24 =	sld [smem:$0x3FFE];
	[sflag:s23] =	ssyncadd.s32 $0xFFFFFFFF  }
0xa5: {  	s26 =	simm.s32 $execute0_lowered;
	[smem:$0x3FD2] =	sst s25  }
0xa6: {  	s5 =	sshll.u32 s26, $0x1;
	_ =	strace $0x80000046;
	[dreg:$0x1] =	wrdreg $0xFFFFFFFF  }
0xa7: {  	s28 =	simm.s32 $_size_execute0_lowered;
	s3 =	sadd.s32 s3, s5;
	[dreg:$0x0] =	wrdreg $0x0  }
0xa8: {  	s5 =	sshll.u32 s28, $0x1;
	[dreg:$0x2] =	wrdreg s3  }
0xa9: {  	[dreg:$0x3] =	wrdreg s5  }
0xaa: {  	[dreg:$0x4] =	wrdreg $0xC0  }
0xab: {  	_ =	task [dreg:s7], $0x5FFFF  }
0xac: {  	[dreg:$0x1] =	wrdreg $0xFFFFFFFF  }
0xad: {  	[dreg:$0x0] =	wrdreg $0x60  }
0xae: {  	[dreg:$0x2] =	wrdreg s2  }
0xaf: {  	[dreg:$0x3] =	wrdreg s24  }
0xb0: {  	[dreg:$0x4] =	wrdreg $0x68000  }
0xb1: {  	[dreg:$0x5] =	wrdreg $0x9  }
0xb2: {  	_ =	task.clear_ibuf [dreg:s7], $0x6FFFF;
	_ =	strace $0x90000046  }
0xb3: {  	s29 =	simm.s32 $0x9;
	_ =	strace $0x80000048  }
0xb4: {  	_ =	swait.ge [sflag:s29], $0x1  }
0xb5: {  	[sflag:s29] =	ssyncadd.s32 $0xFFFFFFFF  }
0xb6: {  	_ =	strace $0x90000048  }
0xb7: {  	_ =	sfence  }
0xb8: {  	s30 =	sld [smem:$0x0];
	_ =	sdelay $0x2  }
0xb9: {  	s31 =	sshll.u32 s1, $0xD;
	s1 =	sshrl.u32 s1, $0x2  }
0xba: {  	s3 =	sand.u32 $0x4000, s31;
	s1 =	sadd.s32 s1, s30  }
0xbb: {  	s0 =	sor.u32 s3, s0;
	s1 =	sshll.u32 s1, $0x11  }
0xbc: {  	s0 =	sor.u32 s1, s0  }
0xbd: {  	s0 =	sadd.s32 $0x8F2B, s0  }
0xbe: {  	[sflag:s0] =	ssyncadd.remote.s32 $0x1  }
0xbf: {  	_ =	sfence.sel $0xFFFF  }
0xc0: {  	[dreg:$0x0] =	wrdreg $0xFFFFFFFF;
	(pc) =	sbr.abs _section_cstart, $3  }
0xc1: {  	[dreg:$0x1] =	wrdreg $0xFFFFFFFF  }
0xc2: {  	_ =	task.clear_ibuf [dreg:s7], $0x2FFFF;
	_ =	strace $0x9FFFFFFF  }
0xc3: {  	(tm) =	ssettm $0x7FFFFFFF  }
tec
execute0_lowered:
.L_overlay_start_1:
0x0: {  	(tag) =	ssettag $0x1  }
0x1: {  	s6 =	rddreg [dreg:$0x0]  }
0x2: {  	s7 =	rddreg [dreg:$0x1]  }
0x3: {  	s1 =	rddreg [dreg:$0x2]  }
0x4: {  	s2 =	srdreg.scid;
	s0 =	rddreg [dreg:$0x3];
	s3 =	simm.s32 $0x0  }
0x5: {  	s13 =	simm.s32 $0x50;
	s8 =	sand.u32 $0x1, s2;
	s2 =	stileid.u32  }
0x6: {  	s14 =	simm.s32 $0x0;
	[smem:$0x7FF] =	sst s3;
	s9 =	smul.u32 $0x140000, s8  }
0x7: {  	s4 =	sadd.s32 $0x2400, s7;
	s5 =	sadd.s32 $0x2A00, s7;
	s10 =	smul.u32 $0x14000, s2  }
0x8: {  	_ =	strace $0x80000047;
	s28 =	ssub.s32 $0x2, s8;
	s11 =	smul.u32 $0x50000, s2  }
0x9: {  	s12 =	sshll.u32 s2, $0xB;
	s8 =	sshll.u32 s8, $0xF;
	s31 =	sshll.u32 s2, $0x6  }
0xa: {  	s29 =	sshrl.u32 s28, $0x1;
	s6 =	sadd.s32 s6, s12;
	s9 =	sadd.s32 s10, s9  }
0xb: {  	s11 =	sshrl.u32 s11, $0x2;
	s6 =	sadd.s32 s8, s6;
	s10 =	simm.s32 $0x4000  }
0xc: {  	s9 =	sshrl.u32 s9, $0x3;
	s30 =	sadd.s32 s11, s1;
	s11 =	sor.u32 $0x1C01, s31  }
0xd: {  	s7 =	sadd.s32 s9, s7;
	s9 =	ssub.s32 s28, s29;
	s12 =	sshrl.u32 s30, $0x3  }
0xe: {  	s7 =	sadd.s32 $0x5200, s7;
	s8 =	smax.u32 s9, $0x1;
	s9 =	simm.s32 $0x1  }
.LBB2_1:
0xf: {  	[tilespmem:s3], [sflag:$0x1] =	stream.linear.gather [hbm4b:s6+s3], $0x3E80, $0x38;
	[tilespmem:$0x1A800] =	vst v63  }
0x10: {  	_ =	swait.ge [sflag:s9], $0x3E80  }
0x11: {  	[sflag:s9] =	ssyncset.done $0x0  }
0x12: {  	[sflag:s9] =	ssyncadd.s32 $0xFFFFC180  }
0x13: {  	[tilespmem:s10], [sflag:$0x1] =	stream.linear.gather [hbm4b:s4+s3], $0x2800, $0x38;
	[tilespmem:$0x1A800] =	vst v63  }
0x14: {  	_ =	swait.ge [sflag:s9], $0x2800  }
0x15: {  	[sflag:s9] =	ssyncset.done $0x0  }
0x16: {  	[sflag:s9] =	ssyncadd.s32 $0xFFFFD800  }
0x17: {  	[spmem:s12], [sflag:s11] =	dma.local [hbm:s5], $0x2800  }
0x18: {  	_ =	swait.ge [sflag:s9], $0x2800  }
0x19: {  	[sflag:s9] =	ssyncset.done $0x0  }
0x1a: {  	[sflag:s9] =	ssyncadd.s32 $0xFFFFD800  }
0x1b: {  	s15 =	simm.s32 $0x0;
	[bflag:$0x0] =	sbarrier.arrive $0xFFFF  }
0x1c: {  	[spmem:s1] =	stream.indirect.scatter.add.f32 [tilespmem:s10], [sflag:$0x1], $0x80, s15, s13, $0xb8;
	[tilespmem:$0x1A800] =	vst v63  }
0x1d: {  	_ =	swait.ge [sflag:s9], $0x2800  }
0x1e: {  	s15 =	simm.s32 $0x200;
	[sflag:s9] =	ssyncset.done $0x0  }
.LBB2_2:
0x1f: {  	s16 =	sshra.s32 s15, $0x2;
	[sflag:s9] =	ssyncadd.s32 $0xFFFFD800;
	p0 =	sne.s32 s15, $0xF800  }
0x20: {  	[spmem:s1] =	stream.indirect.scatter.add.f32 [tilespmem:s10], [sflag:$0x1], $0x80, s16, s13, $0xb8;
	[tilespmem:$0x1A800] =	vst v63  }
.Ltmp0:
0x21: {  	_ = 	snop;
	(pc) =	sbr.rel @p0 .LBB2_2-.Ltmp0, $4  }
0x22: {  	_ = 	snop  }
0x23: {  	s15 =	sadd.s32 $0x200, s15  }
0x24: {  	_ =	swait.ge [sflag:s9], $0x2800  }
0x25: {  	[sflag:s9] =	ssyncset.done $0x0  }
0x26: {  	s14 =	sadd.s32 $0x1, s14  }
0x27: {  	[sflag:s9] =	ssyncadd.s32 $0xFFFFD800;
	p0 =	sne.s32 s14, s8  }
.Ltmp1:
0x28: {  	[bflag:$0x0] =	sbarrier.arrive $0xFFFF;
	(pc) =	sbr.rel @p0 .LBB2_1-.Ltmp1, $4  }
0x29: {  	[hbm:s7], [sflag:s11] =	dma.local [spmem:s12], $0x2800  }
0x2a: {  	_ =	swait.ge [sflag:s9], $0x2800  }
0x2b: {  	[sflag:s9] =	ssyncset.done $0x0  }
0x2c: {  	[sflag:s9] =	ssyncadd.s32 $0xFFFFD800  }
0x2d: {  	_ =	sfence.sel $0x180000  }
0x2e: {  	[bflag:$0x0] =	sbarrier.arrive $0xFFFF  }
0x2f: {  	p0 =	sne.s32 s2, $0x0;
	_ =	strace $0x90000047  }
0x30: {  	s0 =	sadd.s32 @!p0 $0x100000, s0;
	[bflag:$0x2] =	sbarrier.arrive $0xFFFF  }
0x31: {  	[sflag:s0] =	ssyncadd.tile.s32 @!p0 $0x1;
	_ =	shalt  }
.Lfunc_end2:
_tile_overlayer_lowered:
.L_overlay_start_2:
0x32: {  	(tag) =	ssettag $0x2  }
0x33: {  	s0 =	rddreg [dreg:$0x0];
	s2 =	stileid.u32  }
0x34: {  	s1 =	rddreg [dreg:$0x1];
	p0 =	sne.s32 s2, $0x0  }
0x35: {  	s3 =	rddreg [dreg:$0x2];
	[bflag:$0x3] =	sbarrier.arrive $0xFFFF;
	s2 =	simm.s32 @!p0 $0x1C01  }
0x36: {  	[timem:s3], [sflag:s2] =	dma.local @!p0 [hbm:s0], s1  }
0x37: {  	s0 =	simm.s32 @!p0 $0x1  }
0x38: {  	_ =	swait.ge @!p0 [sflag:s0], s1  }
0x39: {  	s1 =	ssub.s32 @!p0 $0x0, s1;
	[sflag:s0] =	ssyncset.done @!p0 $0x0  }
0x3a: {  	[sflag:s0] =	ssyncadd.s32 @!p0 s1  }
0x3b: {  	[bflag:$0x3] =	sbarrier.arrive $0xFFFF  }
0x3c: {  	_ =	shalt  }

</sc_bundles>
